<compile_context>
chip_gen: v7x
topology: tpu7x:2x2x1
jax: 0.10.2.dev20260603
libtpu: 0.0.44.dev20260713+nightly
codegen_flags: <defaults>
</compile_context>

<pallas_src>
import functools

import jax
import jax.numpy as jnp
from jax import lax
from jax.experimental import pallas as pl
from jax.experimental.pallas import tpu as pltpu
from jax.experimental.pallas import tpu_sc as plsc

N_PARTS = 2
N_EMBED = 8192
CODE_DIM = 32
COMMITMENT = 1.0

_TM = 512
_SLAB = _TM // 128
_NC, _NS = 2, 16
_NW = _NC * _NS
_CHUNK = 128


def _vq_block(x_ref, cb_ref, idxp_ref, cbt_ref, csq_ref):
    i = pl.program_id(0)

    @pl.when(i == 0)
    def _build_aug():
        cb0 = cb_ref[...]
        cbt_ref[...] = (-2.0 * cb0).T
        csq_ref[...] = jnp.sum(cb0 * cb0, axis=-1)[None, :]

    x64 = x_ref[...]
    csq = csq_ref[...]
    for p in range(N_PARTS):
        x = x64[:, p * CODE_DIM:(p + 1) * CODE_DIM]
        scores = jnp.dot(x, cbt_ref[...],
                         preferred_element_type=jnp.float32) + csq
        idx = jnp.argmin(scores, axis=-1).astype(jnp.int32)
        for r in range(_SLAB):
            idxp_ref[p, 0, r, :] = idx[r * 128:(r + 1) * 128]


def _sc_gather_commit(n_tok, cb_hbm, idxp_hbm, x_hbm, q_hbm, part_hbm,
                      idx_v, rows_v, x_v, acc_v, cb_sh, sem):
    sid = lax.axis_index("s")
    wid = sid * _NC + lax.axis_index("c")
    per_part = _NW // N_PARTS
    span = n_tok // per_part
    nchunk = span // _CHUNK
    p = wid // per_part
    a = (wid % per_part) * span
    rowbase = (p * n_tok + a) // _CHUNK

    @pl.when(sid == 0)
    def _stage():
        pltpu.sync_copy(cb_hbm, cb_sh)

    pltpu.sync_copy(idxp_hbm.at[pl.ds(rowbase, nchunk)], idx_v)
    plsc.subcore_barrier()
    copies = [
        pltpu.async_copy(cb_sh.at[idx_v.at[j]], rows_v.at[j], sem)
        for j in range(nchunk)
    ]
    pltpu.sync_copy(
        x_hbm.at[pl.ds(a, span), pl.ds(p * CODE_DIM, CODE_DIM)], x_v)
    for cp in copies:
        cp.wait()
    for j in range(nchunk):
        pltpu.sync_copy(
            rows_v.at[j],
            q_hbm.at[pl.ds(a + j * _CHUNK, _CHUNK),
                     pl.ds(p * CODE_DIM, CODE_DIM)])
    acc_v[...] = jnp.zeros((16,), jnp.float32)

    def _row(r, j):
        a0 = rows_v[j, r, pl.ds(0, 16)] - x_v[j * _CHUNK + r, pl.ds(0, 16)]
        a1 = rows_v[j, r, pl.ds(16, 16)] - x_v[j * _CHUNK + r, pl.ds(16, 16)]
        acc_v[...] = acc_v[...] + a0 * a0 + a1 * a1
        return j

    for j in range(nchunk):
        lax.fori_loop(0, _CHUNK, _row, j)
    pltpu.sync_copy(acc_v, part_hbm.at[wid])


def kernel(z_e, codebook):
    B, H, W, D = z_e.shape
    d = D // N_PARTS
    n_tok = B * H * W
    n_blk = n_tok // _TM
    span = n_tok // (_NW // N_PARTS)
    nchunk = span // _CHUNK

    x64 = z_e.reshape(n_tok, D)

    idxp = pl.pallas_call(
        _vq_block,
        grid=(n_blk,),
        in_specs=[
            pl.BlockSpec((_TM, D), lambda i: (i, 0)),
            pl.BlockSpec((N_EMBED, d), lambda i: (0, 0)),
        ],
        out_specs=pl.BlockSpec((N_PARTS, 1, _SLAB, 128), lambda i: (0, i, 0, 0)),
        out_shape=jax.ShapeDtypeStruct((N_PARTS, n_blk, _SLAB, 128), jnp.int32),
        scratch_shapes=[
            pltpu.VMEM((d, N_EMBED), jnp.float32),
            pltpu.VMEM((1, N_EMBED), jnp.float32),
        ],
    )(x64, codebook)

    idxp2 = idxp.reshape(N_PARTS * n_tok // _CHUNK, _CHUNK)

    sc = functools.partial(
        pl.kernel,
        mesh=plsc.VectorSubcoreMesh(core_axis_name="c", subcore_axis_name="s"),
        compiler_params=pltpu.CompilerParams(use_tc_tiling_on_sc=False),
        out_type=[
            jax.ShapeDtypeStruct((n_tok, D), jnp.float32),
            jax.ShapeDtypeStruct((_NW, 16), jnp.float32),
        ],
        scratch_types=[
            pltpu.VMEM((nchunk, _CHUNK), jnp.int32),
            pltpu.VMEM((nchunk, _CHUNK, d), jnp.float32),
            pltpu.VMEM((span, d), jnp.float32),
            pltpu.VMEM((16,), jnp.float32),
            pltpu.VMEM_SHARED((N_EMBED, d), jnp.float32),
            pltpu.SemaphoreType.DMA,
        ],
    )(functools.partial(_sc_gather_commit, n_tok))
    q64, partials = sc(codebook, idxp2, x64)

    z_q = q64.reshape(B, H, W, D)
    indices = (idxp.reshape(N_PARTS, n_tok).transpose(1, 0)
               .reshape(B, H * W, N_PARTS))
    commit_loss = (COMMITMENT * jnp.sum(partials)
                   / jnp.float32(n_tok * d))
    return z_q, indices, commit_loss

# --- scband reference (transcript-rebuilt; emitter-appended) ---
"""Pipeline reference for scband-vqee-5901285064893 (READ-ONLY COPY).

The authoritative reference and input builder live on the scoring server;
editing this copy changes nothing except your own understanding.
"""

import jax, jax.numpy as jnp
import numpy as np

N_PARTS = 2
N_EMBED = 8192
CODE_DIM = 32
COMMITMENT = 1.0


def setup_inputs(seed: int = 0) -> dict:
    key = jax.random.key(seed)
    k1, k2 = jax.random.split(key)
    z_e = jax.random.normal(k1, (16, 32, 32, N_PARTS * CODE_DIM), dtype=jnp.float32)
    codebook = jax.random.normal(k2, (N_EMBED, CODE_DIM), dtype=jnp.float32)
    return {"z_e": z_e, "codebook": codebook}


def _vq_part(flat, codebook):
    # squared-L2 distances: |x|^2 - 2 x e^T + |e|^2
    dist = (
        jnp.sum(flat ** 2, axis=-1, keepdims=True)
        - 2.0 * flat @ codebook.T
        + jnp.sum(codebook ** 2, axis=-1)[None, :]
    )
    indices = jnp.argmin(dist, axis=-1)
    quantize = jnp.take(codebook, indices, axis=0)
    commit = COMMITMENT * jnp.mean((jax.lax.stop_gradient(quantize) - flat) ** 2)
    # straight-through estimator
    q = flat + jax.lax.stop_gradient(quantize - flat)
    return q, indices, commit


def reference(z_e, codebook):
    B, H, W, D = z_e.shape
    d = D // N_PARTS
    zq_parts, idx_parts = [], []
    commit_loss = jnp.float32(0.0)
    for p in range(N_PARTS):
        part = z_e[..., p * d:(p + 1) * d].reshape(B, H * W, d)
        flat = part.reshape(-1, d)
        q, indices, commit = _vq_part(flat, codebook)
        commit_loss = commit_loss + commit
        zq_parts.append(q.reshape(B, H, W, d))
        idx_parts.append(indices.reshape(B, H * W))
    z_q = jnp.concatenate(zq_parts, axis=3)
    indices = jnp.stack(idx_parts, axis=2)
    return z_q, indices, commit_loss

if __name__ == "__main__":
    import jax
    _d = setup_inputs()
    print(jax.jit(kernel)(*tuple(_d.values())))

</pallas_src>

<mosaic_0001>
#map = affine_map<(d0, d1) -> (0, 0)>
module attributes {stable_mosaic.version = 14 : i64} {
  func.func @_sc_gather_commit(%arg0: i32, %arg1: i32, %arg2: memref<8192x32xf32, #tpu.memory_space<hbm>>, %arg3: memref<256x128xi32, #tpu.memory_space<hbm>>, %arg4: memref<16384x64xf32, #tpu.memory_space<hbm>>, %arg5: memref<16384x64xf32, #tpu.memory_space<hbm>>, %arg6: memref<32x16xf32, #tpu.memory_space<hbm>>, %arg7: memref<8x128xi32, #tpu.memory_space<vmem>>, %arg8: memref<8x128x32xf32, #tpu.memory_space<vmem>>, %arg9: memref<1024x32xf32, #tpu.memory_space<vmem>>, %arg10: memref<16xf32, #tpu.memory_space<vmem>>, %arg11: memref<8192x32xf32, #tpu.memory_space<vmem_shared>>, %arg12: memref<!tpu.dma_semaphore, #tpu.memory_space<semaphore_mem>>) attributes {dimension_semantics = [#tpu.dimension_semantics<core_parallel>, #tpu.dimension_semantics<subcore_parallel>], iteration_bounds = array<i64: 2, 16>, scalar_prefetch = 0 : i64, scratch_operands = 6 : i64, tpu.core_type = #tpu.core_type<sc_vector_subcore>, window_params = [{transform_indices = #map}, {transform_indices = #map}, {transform_indices = #map}, {transform_indices = #map}, {transform_indices = #map}]} {
    %mul3A = arith.constant 2 : i32
    %mul3A_0 = arith.muli %arg1, %mul3A : i32
    %add3A = arith.addi %mul3A_0, %arg0 : i32
    %jit3A = arith.constant 16 : i32
    %div3A = arith.divsi %add3A, %jit3A : i32
    %sign3A = arith.constant 0 : i32
    %sign3A_1 = arith.cmpi sgt, %add3A, %sign3A : i32
    %sign3A_2 = arith.extui %sign3A_1 : i1 to i32
    %sign3A_3 = arith.constant 0 : i32
    %sign3A_4 = arith.cmpi slt, %add3A, %sign3A_3 : i32
    %sign3A_5 = arith.extui %sign3A_4 : i1 to i32
    %sign3A_6 = arith.subi %sign3A_2, %sign3A_5 : i32
    %sign3A_7 = arith.constant 0 : i32
    %sign3A_8 = arith.cmpi sgt, %jit3A, %sign3A_7 : i32
    %sign3A_9 = arith.extui %sign3A_8 : i1 to i32
    %sign3A_10 = arith.constant 0 : i32
    %sign3A_11 = arith.cmpi slt, %jit3A, %sign3A_10 : i32
    %sign3A_12 = arith.extui %sign3A_11 : i1 to i32
    %sign3A_13 = arith.subi %sign3A_9, %sign3A_12 : i32
    %ne3A = arith.cmpi ne, %sign3A_6, %sign3A_13 : i32
    %rem3A = arith.remsi %add3A, %jit3A : i32
    %ne3A_14 = arith.constant 0 : i32
    %ne3A_15 = arith.cmpi ne, %rem3A, %ne3A_14 : i32
    %and3A = arith.andi %ne3A, %ne3A_15 : i1
    %sub3A = arith.constant 1 : i32
    %sub3A_16 = arith.subi %div3A, %sub3A : i32
    %select_n3A = arith.select %and3A, %sub3A_16, %div3A : i32
    %jit3A_17 = arith.constant 16 : i32
    %eq3A = arith.constant 0 : i32
    %eq3A_18 = arith.cmpi eq, %jit3A_17, %eq3A : i32
    %jit3A_19 = arith.constant 1 : i32
    %select_n3A_20 = arith.select %eq3A_18, %jit3A_19, %jit3A_17 : i32
    %rem3A_21 = arith.remsi %add3A, %select_n3A_20 : i32
    %ne3A_22 = arith.constant 0 : i32
    %ne3A_23 = arith.cmpi ne, %rem3A_21, %ne3A_22 : i32
    %lt3A = arith.constant 0 : i32
    %lt3A_24 = arith.cmpi slt, %rem3A_21, %lt3A : i32
    %lt3A_25 = arith.constant 0 : i32
    %lt3A_26 = arith.cmpi slt, %select_n3A_20, %lt3A_25 : i32
    %ne3A_27 = arith.xori %lt3A_24, %lt3A_26 : i1
    %and3A_28 = arith.andi %ne3A_27, %ne3A_23 : i1
    %add3A_29 = arith.addi %rem3A_21, %select_n3A_20 : i32
    %select_n3A_30 = arith.select %and3A_28, %add3A_29, %rem3A_21 : i32
    %mul3A_31 = arith.constant 1024 : i32
    %mul3A_32 = arith.muli %select_n3A_30, %mul3A_31 : i32
    %mul3A_33 = arith.constant 16384 : i32
    %mul3A_34 = arith.muli %select_n3A, %mul3A_33 : i32
    %add3A_35 = arith.addi %mul3A_34, %mul3A_32 : i32
    %jit3A_36 = arith.constant 128 : i32
    %div3A_37 = arith.divsi %add3A_35, %jit3A_36 : i32
    %sign3A_38 = arith.constant 0 : i32
    %sign3A_39 = arith.cmpi sgt, %add3A_35, %sign3A_38 : i32
    %sign3A_40 = arith.extui %sign3A_39 : i1 to i32
    %sign3A_41 = arith.constant 0 : i32
    %sign3A_42 = arith.cmpi slt, %add3A_35, %sign3A_41 : i32
    %sign3A_43 = arith.extui %sign3A_42 : i1 to i32
    %sign3A_44 = arith.subi %sign3A_40, %sign3A_43 : i32
    %sign3A_45 = arith.constant 0 : i32
    %sign3A_46 = arith.cmpi sgt, %jit3A_36, %sign3A_45 : i32
    %sign3A_47 = arith.extui %sign3A_46 : i1 to i32
    %sign3A_48 = arith.constant 0 : i32
    %sign3A_49 = arith.cmpi slt, %jit3A_36, %sign3A_48 : i32
    %sign3A_50 = arith.extui %sign3A_49 : i1 to i32
    %sign3A_51 = arith.subi %sign3A_47, %sign3A_50 : i32
    %ne3A_52 = arith.cmpi ne, %sign3A_44, %sign3A_51 : i32
    %rem3A_53 = arith.remsi %add3A_35, %jit3A_36 : i32
    %ne3A_54 = arith.constant 0 : i32
    %ne3A_55 = arith.cmpi ne, %rem3A_53, %ne3A_54 : i32
    %and3A_56 = arith.andi %ne3A_52, %ne3A_55 : i1
    %sub3A_57 = arith.constant 1 : i32
    %sub3A_58 = arith.subi %div3A_37, %sub3A_57 : i32
    %select_n3A_59 = arith.select %and3A_56, %sub3A_58, %div3A_37 : i32
    %eq3A_60 = arith.constant 0 : i32
    %eq3A_61 = arith.cmpi eq, %arg1, %eq3A_60 : i32
    %convert_element_type3A = arith.extui %eq3A_61 : i1 to i32
    %cond3A = arith.constant 0 : i32
    %cond3A_62 = arith.cmpi ne, %convert_element_type3A, %cond3A : i32
    scf.if %cond3A_62 {
      "tpu.region"() ({
        %run_scoped3A_345 = tpu.sem_alloc : memref<!tpu.dma_semaphore, #tpu.memory_space<semaphore_mem>>
        tpu.enqueue_dma source(%arg2 : memref<8192x32xf32, #tpu.memory_space<hbm>>) target(%arg11 : memref<8192x32xf32, #tpu.memory_space<vmem_shared>>) target_semaphore(%run_scoped3A_345 : memref<!tpu.dma_semaphore, #tpu.memory_space<semaphore_mem>>)
        tpu.wait_dma2 semaphore(%run_scoped3A_345 : memref<!tpu.dma_semaphore, #tpu.memory_space<semaphore_mem>>) src(%arg2 : memref<8192x32xf32, #tpu.memory_space<hbm>>) dst(%arg11 : memref<8192x32xf32, #tpu.memory_space<vmem_shared>>)
        tpu.yield
      }) : () -> ()
    } else {
    }
    "tpu.region"() ({
      %run_scoped3A_345 = tpu.sem_alloc : memref<!tpu.dma_semaphore, #tpu.memory_space<semaphore_mem>>
      %dma_start3A_346 = arith.constant 0 : i32
      %dma_start3A_347 = tpu.memref_slice %arg3[%select_n3A_59, %dma_start3A_346] : memref<256x128xi32, #tpu.memory_space<hbm>> -> memref<8x128xi32, #tpu.memory_space<hbm>>
      %dma_start3A_348 = arith.constant 0 : i32
      %dma_start3A_349 = tpu.memref_slice %arg3[%select_n3A_59, %dma_start3A_348] : memref<256x128xi32, #tpu.memory_space<hbm>> -> memref<8x128xi32, #tpu.memory_space<hbm>>
      tpu.enqueue_dma source(%dma_start3A_349 : memref<8x128xi32, #tpu.memory_space<hbm>>) target(%arg7 : memref<8x128xi32, #tpu.memory_space<vmem>>) target_semaphore(%run_scoped3A_345 : memref<!tpu.dma_semaphore, #tpu.memory_space<semaphore_mem>>)
      %dma_wait3A_350 = arith.constant 0 : i32
      %dma_wait3A_351 = tpu.memref_slice %arg3[%select_n3A_59, %dma_wait3A_350] : memref<256x128xi32, #tpu.memory_space<hbm>> -> memref<8x128xi32, #tpu.memory_space<hbm>>
      %dma_wait3A_352 = arith.constant 0 : i32
      %dma_wait3A_353 = tpu.memref_slice %arg3[%select_n3A_59, %dma_wait3A_352] : memref<256x128xi32, #tpu.memory_space<hbm>> -> memref<8x128xi32, #tpu.memory_space<hbm>>
      tpu.wait_dma2 semaphore(%run_scoped3A_345 : memref<!tpu.dma_semaphore, #tpu.memory_space<semaphore_mem>>) src(%dma_wait3A_353 : memref<8x128xi32, #tpu.memory_space<hbm>>) dst(%arg7 : memref<8x128xi32, #tpu.memory_space<vmem>>)
      tpu.yield
    }) : () -> ()
    %barrier3A = arith.constant 0 : index
    tpu.barrier barrier_id(%barrier3A)
    %dma_start3A = arith.constant 0 : i32
    %dma_start3A_63 = arith.constant 0 : i32
    %dma_start3A_64 = arith.constant 0 : i32
    %dma_start3A_65 = arith.constant 0 : i32
    %dma_start3A_66 = tpu.memref_slice %arg8[%dma_start3A_63, %dma_start3A_64, %dma_start3A_65] : memref<8x128x32xf32, #tpu.memory_space<vmem>> -> memref<1x128x32xf32, #tpu.memory_space<vmem>>
    %dma_start3A_67 = tpu.memref_squeeze %dma_start3A_66 : memref<1x128x32xf32, #tpu.memory_space<vmem>> -> memref<128x32xf32, #tpu.memory_space<vmem>>
    %dma_start3A_68 = arith.constant 0 : i32
    %dma_start3A_69 = tpu.memref_slice %arg7[%dma_start3A, %dma_start3A_68] : memref<8x128xi32, #tpu.memory_space<vmem>> -> memref<1x128xi32, #tpu.memory_space<vmem>>
    %dma_start3A_70 = tpu.memref_squeeze %dma_start3A_69 : memref<1x128xi32, #tpu.memory_space<vmem>> -> memref<128xi32, #tpu.memory_space<vmem>>
    %dma_start3A_71 = arith.constant 0 : i32
    %dma_start3A_72 = arith.constant 0 : i32
    %dma_start3A_73 = tpu.memref_slice %arg11[%dma_start3A_71, %dma_start3A_72] : memref<8192x32xf32, #tpu.memory_space<vmem_shared>> -> memref<8192x32xf32, #tpu.memory_space<vmem_shared>>
    tpu.enqueue_indirect_dma source(%dma_start3A_73 : memref<8192x32xf32, #tpu.memory_space<vmem_shared>>) target(%dma_start3A_67 : memref<128x32xf32, #tpu.memory_space<vmem>>) offsets(%dma_start3A_70 : memref<128xi32, #tpu.memory_space<vmem>>) semaphore(%arg12 : memref<!tpu.dma_semaphore, #tpu.memory_space<semaphore_mem>>)
    %dma_start3A_74 = arith.constant 1 : i32
    %dma_start3A_75 = arith.constant 1 : i32
    %dma_start3A_76 = arith.constant 0 : i32
    %dma_start3A_77 = arith.constant 0 : i32
    %dma_start3A_78 = tpu.memref_slice %arg8[%dma_start3A_75, %dma_start3A_76, %dma_start3A_77] : memref<8x128x32xf32, #tpu.memory_space<vmem>> -> memref<1x128x32xf32, #tpu.memory_space<vmem>>
    %dma_start3A_79 = tpu.memref_squeeze %dma_start3A_78 : memref<1x128x32xf32, #tpu.memory_space<vmem>> -> memref<128x32xf32, #tpu.memory_space<vmem>>
    %dma_start3A_80 = arith.constant 0 : i32
    %dma_start3A_81 = tpu.memref_slice %arg7[%dma_start3A_74, %dma_start3A_80] : memref<8x128xi32, #tpu.memory_space<vmem>> -> memref<1x128xi32, #tpu.memory_space<vmem>>
    %dma_start3A_82 = tpu.memref_squeeze %dma_start3A_81 : memref<1x128xi32, #tpu.memory_space<vmem>> -> memref<128xi32, #tpu.memory_space<vmem>>
    %dma_start3A_83 = arith.constant 0 : i32
    %dma_start3A_84 = arith.constant 0 : i32
    %dma_start3A_85 = tpu.memref_slice %arg11[%dma_start3A_83, %dma_start3A_84] : memref<8192x32xf32, #tpu.memory_space<vmem_shared>> -> memref<8192x32xf32, #tpu.memory_space<vmem_shared>>
    tpu.enqueue_indirect_dma source(%dma_start3A_85 : memref<8192x32xf32, #tpu.memory_space<vmem_shared>>) target(%dma_start3A_79 : memref<128x32xf32, #tpu.memory_space<vmem>>) offsets(%dma_start3A_82 : memref<128xi32, #tpu.memory_space<vmem>>) semaphore(%arg12 : memref<!tpu.dma_semaphore, #tpu.memory_space<semaphore_mem>>)
    %dma_start3A_86 = arith.constant 2 : i32
    %dma_start3A_87 = arith.constant 2 : i32
    %dma_start3A_88 = arith.constant 0 : i32
    %dma_start3A_89 = arith.constant 0 : i32
    %dma_start3A_90 = tpu.memref_slice %arg8[%dma_start3A_87, %dma_start3A_88, %dma_start3A_89] : memref<8x128x32xf32, #tpu.memory_space<vmem>> -> memref<1x128x32xf32, #tpu.memory_space<vmem>>
    %dma_start3A_91 = tpu.memref_squeeze %dma_start3A_90 : memref<1x128x32xf32, #tpu.memory_space<vmem>> -> memref<128x32xf32, #tpu.memory_space<vmem>>
    %dma_start3A_92 = arith.constant 0 : i32
    %dma_start3A_93 = tpu.memref_slice %arg7[%dma_start3A_86, %dma_start3A_92] : memref<8x128xi32, #tpu.memory_space<vmem>> -> memref<1x128xi32, #tpu.memory_space<vmem>>
    %dma_start3A_94 = tpu.memref_squeeze %dma_start3A_93 : memref<1x128xi32, #tpu.memory_space<vmem>> -> memref<128xi32, #tpu.memory_space<vmem>>
    %dma_start3A_95 = arith.constant 0 : i32
    %dma_start3A_96 = arith.constant 0 : i32
    %dma_start3A_97 = tpu.memref_slice %arg11[%dma_start3A_95, %dma_start3A_96] : memref<8192x32xf32, #tpu.memory_space<vmem_shared>> -> memref<8192x32xf32, #tpu.memory_space<vmem_shared>>
    tpu.enqueue_indirect_dma source(%dma_start3A_97 : memref<8192x32xf32, #tpu.memory_space<vmem_shared>>) target(%dma_start3A_91 : memref<128x32xf32, #tpu.memory_space<vmem>>) offsets(%dma_start3A_94 : memref<128xi32, #tpu.memory_space<vmem>>) semaphore(%arg12 : memref<!tpu.dma_semaphore, #tpu.memory_space<semaphore_mem>>)
    %dma_start3A_98 = arith.constant 3 : i32
    %dma_start3A_99 = arith.constant 3 : i32
    %dma_start3A_100 = arith.constant 0 : i32
    %dma_start3A_101 = arith.constant 0 : i32
    %dma_start3A_102 = tpu.memref_slice %arg8[%dma_start3A_99, %dma_start3A_100, %dma_start3A_101] : memref<8x128x32xf32, #tpu.memory_space<vmem>> -> memref<1x128x32xf32, #tpu.memory_space<vmem>>
    %dma_start3A_103 = tpu.memref_squeeze %dma_start3A_102 : memref<1x128x32xf32, #tpu.memory_space<vmem>> -> memref<128x32xf32, #tpu.memory_space<vmem>>
    %dma_start3A_104 = arith.constant 0 : i32
    %dma_start3A_105 = tpu.memref_slice %arg7[%dma_start3A_98, %dma_start3A_104] : memref<8x128xi32, #tpu.memory_space<vmem>> -> memref<1x128xi32, #tpu.memory_space<vmem>>
    %dma_start3A_106 = tpu.memref_squeeze %dma_start3A_105 : memref<1x128xi32, #tpu.memory_space<vmem>> -> memref<128xi32, #tpu.memory_space<vmem>>
    %dma_start3A_107 = arith.constant 0 : i32
    %dma_start3A_108 = arith.constant 0 : i32
    %dma_start3A_109 = tpu.memref_slice %arg11[%dma_start3A_107, %dma_start3A_108] : memref<8192x32xf32, #tpu.memory_space<vmem_shared>> -> memref<8192x32xf32, #tpu.memory_space<vmem_shared>>
    tpu.enqueue_indirect_dma source(%dma_start3A_109 : memref<8192x32xf32, #tpu.memory_space<vmem_shared>>) target(%dma_start3A_103 : memref<128x32xf32, #tpu.memory_space<vmem>>) offsets(%dma_start3A_106 : memref<128xi32, #tpu.memory_space<vmem>>) semaphore(%arg12 : memref<!tpu.dma_semaphore, #tpu.memory_space<semaphore_mem>>)
    %dma_start3A_110 = arith.constant 4 : i32
    %dma_start3A_111 = arith.constant 4 : i32
    %dma_start3A_112 = arith.constant 0 : i32
    %dma_start3A_113 = arith.constant 0 : i32
    %dma_start3A_114 = tpu.memref_slice %arg8[%dma_start3A_111, %dma_start3A_112, %dma_start3A_113] : memref<8x128x32xf32, #tpu.memory_space<vmem>> -> memref<1x128x32xf32, #tpu.memory_space<vmem>>
    %dma_start3A_115 = tpu.memref_squeeze %dma_start3A_114 : memref<1x128x32xf32, #tpu.memory_space<vmem>> -> memref<128x32xf32, #tpu.memory_space<vmem>>
    %dma_start3A_116 = arith.constant 0 : i32
    %dma_start3A_117 = tpu.memref_slice %arg7[%dma_start3A_110, %dma_start3A_116] : memref<8x128xi32, #tpu.memory_space<vmem>> -> memref<1x128xi32, #tpu.memory_space<vmem>>
    %dma_start3A_118 = tpu.memref_squeeze %dma_start3A_117 : memref<1x128xi32, #tpu.memory_space<vmem>> -> memref<128xi32, #tpu.memory_space<vmem>>
    %dma_start3A_119 = arith.constant 0 : i32
    %dma_start3A_120 = arith.constant 0 : i32
    %dma_start3A_121 = tpu.memref_slice %arg11[%dma_start3A_119, %dma_start3A_120] : memref<8192x32xf32, #tpu.memory_space<vmem_shared>> -> memref<8192x32xf32, #tpu.memory_space<vmem_shared>>
    tpu.enqueue_indirect_dma source(%dma_start3A_121 : memref<8192x32xf32, #tpu.memory_space<vmem_shared>>) target(%dma_start3A_115 : memref<128x32xf32, #tpu.memory_space<vmem>>) offsets(%dma_start3A_118 : memref<128xi32, #tpu.memory_space<vmem>>) semaphore(%arg12 : memref<!tpu.dma_semaphore, #tpu.memory_space<semaphore_mem>>)
    %dma_start3A_122 = arith.constant 5 : i32
    %dma_start3A_123 = arith.constant 5 : i32
    %dma_start3A_124 = arith.constant 0 : i32
    %dma_start3A_125 = arith.constant 0 : i32
    %dma_start3A_126 = tpu.memref_slice %arg8[%dma_start3A_123, %dma_start3A_124, %dma_start3A_125] : memref<8x128x32xf32, #tpu.memory_space<vmem>> -> memref<1x128x32xf32, #tpu.memory_space<vmem>>
    %dma_start3A_127 = tpu.memref_squeeze %dma_start3A_126 : memref<1x128x32xf32, #tpu.memory_space<vmem>> -> memref<128x32xf32, #tpu.memory_space<vmem>>
    %dma_start3A_128 = arith.constant 0 : i32
    %dma_start3A_129 = tpu.memref_slice %arg7[%dma_start3A_122, %dma_start3A_128] : memref<8x128xi32, #tpu.memory_space<vmem>> -> memref<1x128xi32, #tpu.memory_space<vmem>>
    %dma_start3A_130 = tpu.memref_squeeze %dma_start3A_129 : memref<1x128xi32, #tpu.memory_space<vmem>> -> memref<128xi32, #tpu.memory_space<vmem>>
    %dma_start3A_131 = arith.constant 0 : i32
    %dma_start3A_132 = arith.constant 0 : i32
    %dma_start3A_133 = tpu.memref_slice %arg11[%dma_start3A_131, %dma_start3A_132] : memref<8192x32xf32, #tpu.memory_space<vmem_shared>> -> memref<8192x32xf32, #tpu.memory_space<vmem_shared>>
    tpu.enqueue_indirect_dma source(%dma_start3A_133 : memref<8192x32xf32, #tpu.memory_space<vmem_shared>>) target(%dma_start3A_127 : memref<128x32xf32, #tpu.memory_space<vmem>>) offsets(%dma_start3A_130 : memref<128xi32, #tpu.memory_space<vmem>>) semaphore(%arg12 : memref<!tpu.dma_semaphore, #tpu.memory_space<semaphore_mem>>)
    %dma_start3A_134 = arith.constant 6 : i32
    %dma_start3A_135 = arith.constant 6 : i32
    %dma_start3A_136 = arith.constant 0 : i32
    %dma_start3A_137 = arith.constant 0 : i32
    %dma_start3A_138 = tpu.memref_slice %arg8[%dma_start3A_135, %dma_start3A_136, %dma_start3A_137] : memref<8x128x32xf32, #tpu.memory_space<vmem>> -> memref<1x128x32xf32, #tpu.memory_space<vmem>>
    %dma_start3A_139 = tpu.memref_squeeze %dma_start3A_138 : memref<1x128x32xf32, #tpu.memory_space<vmem>> -> memref<128x32xf32, #tpu.memory_space<vmem>>
    %dma_start3A_140 = arith.constant 0 : i32
    %dma_start3A_141 = tpu.memref_slice %arg7[%dma_start3A_134, %dma_start3A_140] : memref<8x128xi32, #tpu.memory_space<vmem>> -> memref<1x128xi32, #tpu.memory_space<vmem>>
    %dma_start3A_142 = tpu.memref_squeeze %dma_start3A_141 : memref<1x128xi32, #tpu.memory_space<vmem>> -> memref<128xi32, #tpu.memory_space<vmem>>
    %dma_start3A_143 = arith.constant 0 : i32
    %dma_start3A_144 = arith.constant 0 : i32
    %dma_start3A_145 = tpu.memref_slice %arg11[%dma_start3A_143, %dma_start3A_144] : memref<8192x32xf32, #tpu.memory_space<vmem_shared>> -> memref<8192x32xf32, #tpu.memory_space<vmem_shared>>
    tpu.enqueue_indirect_dma source(%dma_start3A_145 : memref<8192x32xf32, #tpu.memory_space<vmem_shared>>) target(%dma_start3A_139 : memref<128x32xf32, #tpu.memory_space<vmem>>) offsets(%dma_start3A_142 : memref<128xi32, #tpu.memory_space<vmem>>) semaphore(%arg12 : memref<!tpu.dma_semaphore, #tpu.memory_space<semaphore_mem>>)
    %dma_start3A_146 = arith.constant 7 : i32
    %dma_start3A_147 = arith.constant 7 : i32
    %dma_start3A_148 = arith.constant 0 : i32
    %dma_start3A_149 = arith.constant 0 : i32
    %dma_start3A_150 = tpu.memref_slice %arg8[%dma_start3A_147, %dma_start3A_148, %dma_start3A_149] : memref<8x128x32xf32, #tpu.memory_space<vmem>> -> memref<1x128x32xf32, #tpu.memory_space<vmem>>
    %dma_start3A_151 = tpu.memref_squeeze %dma_start3A_150 : memref<1x128x32xf32, #tpu.memory_space<vmem>> -> memref<128x32xf32, #tpu.memory_space<vmem>>
    %dma_start3A_152 = arith.constant 0 : i32
    %dma_start3A_153 = tpu.memref_slice %arg7[%dma_start3A_146, %dma_start3A_152] : memref<8x128xi32, #tpu.memory_space<vmem>> -> memref<1x128xi32, #tpu.memory_space<vmem>>
    %dma_start3A_154 = tpu.memref_squeeze %dma_start3A_153 : memref<1x128xi32, #tpu.memory_space<vmem>> -> memref<128xi32, #tpu.memory_space<vmem>>
    %dma_start3A_155 = arith.constant 0 : i32
    %dma_start3A_156 = arith.constant 0 : i32
    %dma_start3A_157 = tpu.memref_slice %arg11[%dma_start3A_155, %dma_start3A_156] : memref<8192x32xf32, #tpu.memory_space<vmem_shared>> -> memref<8192x32xf32, #tpu.memory_space<vmem_shared>>
    tpu.enqueue_indirect_dma source(%dma_start3A_157 : memref<8192x32xf32, #tpu.memory_space<vmem_shared>>) target(%dma_start3A_151 : memref<128x32xf32, #tpu.memory_space<vmem>>) offsets(%dma_start3A_154 : memref<128xi32, #tpu.memory_space<vmem>>) semaphore(%arg12 : memref<!tpu.dma_semaphore, #tpu.memory_space<semaphore_mem>>)
    %mul3A_158 = arith.constant 32 : i32
    %mul3A_159 = arith.muli %select_n3A, %mul3A_158 : i32
    "tpu.region"() ({
      %run_scoped3A_345 = tpu.sem_alloc : memref<!tpu.dma_semaphore, #tpu.memory_space<semaphore_mem>>
      %dma_start3A_346 = tpu.memref_slice %arg4[%mul3A_32, %mul3A_159] : memref<16384x64xf32, #tpu.memory_space<hbm>> -> memref<1024x32xf32, #tpu.memory_space<hbm>>
      %dma_start3A_347 = tpu.memref_slice %arg4[%mul3A_32, %mul3A_159] : memref<16384x64xf32, #tpu.memory_space<hbm>> -> memref<1024x32xf32, #tpu.memory_space<hbm>>
      tpu.enqueue_dma source(%dma_start3A_347 : memref<1024x32xf32, #tpu.memory_space<hbm>>) target(%arg9 : memref<1024x32xf32, #tpu.memory_space<vmem>>) target_semaphore(%run_scoped3A_345 : memref<!tpu.dma_semaphore, #tpu.memory_space<semaphore_mem>>)
      %dma_wait3A_348 = tpu.memref_slice %arg4[%mul3A_32, %mul3A_159] : memref<16384x64xf32, #tpu.memory_space<hbm>> -> memref<1024x32xf32, #tpu.memory_space<hbm>>
      %dma_wait3A_349 = tpu.memref_slice %arg4[%mul3A_32, %mul3A_159] : memref<16384x64xf32, #tpu.memory_space<hbm>> -> memref<1024x32xf32, #tpu.memory_space<hbm>>
      tpu.wait_dma2 semaphore(%run_scoped3A_345 : memref<!tpu.dma_semaphore, #tpu.memory_space<semaphore_mem>>) src(%dma_wait3A_349 : memref<1024x32xf32, #tpu.memory_space<hbm>>) dst(%arg9 : memref<1024x32xf32, #tpu.memory_space<vmem>>)
      tpu.yield
    }) : () -> ()
    %dma_wait3A = arith.constant 0 : i32
    %dma_wait3A_160 = arith.constant 0 : i32
    %dma_wait3A_161 = arith.constant 0 : i32
    %dma_wait3A_162 = arith.constant 0 : i32
    %dma_wait3A_163 = tpu.memref_slice %arg8[%dma_wait3A_160, %dma_wait3A_161, %dma_wait3A_162] : memref<8x128x32xf32, #tpu.memory_space<vmem>> -> memref<1x128x32xf32, #tpu.memory_space<vmem>>
    %dma_wait3A_164 = tpu.memref_squeeze %dma_wait3A_163 : memref<1x128x32xf32, #tpu.memory_space<vmem>> -> memref<128x32xf32, #tpu.memory_space<vmem>>
    %dma_wait3A_165 = arith.constant 0 : i32
    %dma_wait3A_166 = tpu.memref_slice %arg7[%dma_wait3A, %dma_wait3A_165] : memref<8x128xi32, #tpu.memory_space<vmem>> -> memref<1x128xi32, #tpu.memory_space<vmem>>
    %dma_wait3A_167 = tpu.memref_squeeze %dma_wait3A_166 : memref<1x128xi32, #tpu.memory_space<vmem>> -> memref<128xi32, #tpu.memory_space<vmem>>
    %dma_wait3A_168 = arith.constant 0 : i32
    %dma_wait3A_169 = arith.constant 0 : i32
    %dma_wait3A_170 = tpu.memref_slice %arg11[%dma_wait3A_168, %dma_wait3A_169] : memref<8192x32xf32, #tpu.memory_space<vmem_shared>> -> memref<8192x32xf32, #tpu.memory_space<vmem_shared>>
    tpu.wait_indirect_dma semaphore(%arg12 : memref<!tpu.dma_semaphore, #tpu.memory_space<semaphore_mem>>) src(%dma_wait3A_170 : memref<8192x32xf32, #tpu.memory_space<vmem_shared>>) dst(%dma_wait3A_164 : memref<128x32xf32, #tpu.memory_space<vmem>>)
    %dma_wait3A_171 = arith.constant 1 : i32
    %dma_wait3A_172 = arith.constant 1 : i32
    %dma_wait3A_173 = arith.constant 0 : i32
    %dma_wait3A_174 = arith.constant 0 : i32
    %dma_wait3A_175 = tpu.memref_slice %arg8[%dma_wait3A_172, %dma_wait3A_173, %dma_wait3A_174] : memref<8x128x32xf32, #tpu.memory_space<vmem>> -> memref<1x128x32xf32, #tpu.memory_space<vmem>>
    %dma_wait3A_176 = tpu.memref_squeeze %dma_wait3A_175 : memref<1x128x32xf32, #tpu.memory_space<vmem>> -> memref<128x32xf32, #tpu.memory_space<vmem>>
    %dma_wait3A_177 = arith.constant 0 : i32
    %dma_wait3A_178 = tpu.memref_slice %arg7[%dma_wait3A_171, %dma_wait3A_177] : memref<8x128xi32, #tpu.memory_space<vmem>> -> memref<1x128xi32, #tpu.memory_space<vmem>>
    %dma_wait3A_179 = tpu.memref_squeeze %dma_wait3A_178 : memref<1x128xi32, #tpu.memory_space<vmem>> -> memref<128xi32, #tpu.memory_space<vmem>>
    %dma_wait3A_180 = arith.constant 0 : i32
    %dma_wait3A_181 = arith.constant 0 : i32
    %dma_wait3A_182 = tpu.memref_slice %arg11[%dma_wait3A_180, %dma_wait3A_181] : memref<8192x32xf32, #tpu.memory_space<vmem_shared>> -> memref<8192x32xf32, #tpu.memory_space<vmem_shared>>
    tpu.wait_indirect_dma semaphore(%arg12 : memref<!tpu.dma_semaphore, #tpu.memory_space<semaphore_mem>>) src(%dma_wait3A_182 : memref<8192x32xf32, #tpu.memory_space<vmem_shared>>) dst(%dma_wait3A_176 : memref<128x32xf32, #tpu.memory_space<vmem>>)
    %dma_wait3A_183 = arith.constant 2 : i32
    %dma_wait3A_184 = arith.constant 2 : i32
    %dma_wait3A_185 = arith.constant 0 : i32
    %dma_wait3A_186 = arith.constant 0 : i32
    %dma_wait3A_187 = tpu.memref_slice %arg8[%dma_wait3A_184, %dma_wait3A_185, %dma_wait3A_186] : memref<8x128x32xf32, #tpu.memory_space<vmem>> -> memref<1x128x32xf32, #tpu.memory_space<vmem>>
    %dma_wait3A_188 = tpu.memref_squeeze %dma_wait3A_187 : memref<1x128x32xf32, #tpu.memory_space<vmem>> -> memref<128x32xf32, #tpu.memory_space<vmem>>
    %dma_wait3A_189 = arith.constant 0 : i32
    %dma_wait3A_190 = tpu.memref_slice %arg7[%dma_wait3A_183, %dma_wait3A_189] : memref<8x128xi32, #tpu.memory_space<vmem>> -> memref<1x128xi32, #tpu.memory_space<vmem>>
    %dma_wait3A_191 = tpu.memref_squeeze %dma_wait3A_190 : memref<1x128xi32, #tpu.memory_space<vmem>> -> memref<128xi32, #tpu.memory_space<vmem>>
    %dma_wait3A_192 = arith.constant 0 : i32
    %dma_wait3A_193 = arith.constant 0 : i32
    %dma_wait3A_194 = tpu.memref_slice %arg11[%dma_wait3A_192, %dma_wait3A_193] : memref<8192x32xf32, #tpu.memory_space<vmem_shared>> -> memref<8192x32xf32, #tpu.memory_space<vmem_shared>>
    tpu.wait_indirect_dma semaphore(%arg12 : memref<!tpu.dma_semaphore, #tpu.memory_space<semaphore_mem>>) src(%dma_wait3A_194 : memref<8192x32xf32, #tpu.memory_space<vmem_shared>>) dst(%dma_wait3A_188 : memref<128x32xf32, #tpu.memory_space<vmem>>)
    %dma_wait3A_195 = arith.constant 3 : i32
    %dma_wait3A_196 = arith.constant 3 : i32
    %dma_wait3A_197 = arith.constant 0 : i32
    %dma_wait3A_198 = arith.constant 0 : i32
    %dma_wait3A_199 = tpu.memref_slice %arg8[%dma_wait3A_196, %dma_wait3A_197, %dma_wait3A_198] : memref<8x128x32xf32, #tpu.memory_space<vmem>> -> memref<1x128x32xf32, #tpu.memory_space<vmem>>
    %dma_wait3A_200 = tpu.memref_squeeze %dma_wait3A_199 : memref<1x128x32xf32, #tpu.memory_space<vmem>> -> memref<128x32xf32, #tpu.memory_space<vmem>>
    %dma_wait3A_201 = arith.constant 0 : i32
    %dma_wait3A_202 = tpu.memref_slice %arg7[%dma_wait3A_195, %dma_wait3A_201] : memref<8x128xi32, #tpu.memory_space<vmem>> -> memref<1x128xi32, #tpu.memory_space<vmem>>
    %dma_wait3A_203 = tpu.memref_squeeze %dma_wait3A_202 : memref<1x128xi32, #tpu.memory_space<vmem>> -> memref<128xi32, #tpu.memory_space<vmem>>
    %dma_wait3A_204 = arith.constant 0 : i32
    %dma_wait3A_205 = arith.constant 0 : i32
    %dma_wait3A_206 = tpu.memref_slice %arg11[%dma_wait3A_204, %dma_wait3A_205] : memref<8192x32xf32, #tpu.memory_space<vmem_shared>> -> memref<8192x32xf32, #tpu.memory_space<vmem_shared>>
    tpu.wait_indirect_dma semaphore(%arg12 : memref<!tpu.dma_semaphore, #tpu.memory_space<semaphore_mem>>) src(%dma_wait3A_206 : memref<8192x32xf32, #tpu.memory_space<vmem_shared>>) dst(%dma_wait3A_200 : memref<128x32xf32, #tpu.memory_space<vmem>>)
    %dma_wait3A_207 = arith.constant 4 : i32
    %dma_wait3A_208 = arith.constant 4 : i32
    %dma_wait3A_209 = arith.constant 0 : i32
    %dma_wait3A_210 = arith.constant 0 : i32
    %dma_wait3A_211 = tpu.memref_slice %arg8[%dma_wait3A_208, %dma_wait3A_209, %dma_wait3A_210] : memref<8x128x32xf32, #tpu.memory_space<vmem>> -> memref<1x128x32xf32, #tpu.memory_space<vmem>>
    %dma_wait3A_212 = tpu.memref_squeeze %dma_wait3A_211 : memref<1x128x32xf32, #tpu.memory_space<vmem>> -> memref<128x32xf32, #tpu.memory_space<vmem>>
    %dma_wait3A_213 = arith.constant 0 : i32
    %dma_wait3A_214 = tpu.memref_slice %arg7[%dma_wait3A_207, %dma_wait3A_213] : memref<8x128xi32, #tpu.memory_space<vmem>> -> memref<1x128xi32, #tpu.memory_space<vmem>>
    %dma_wait3A_215 = tpu.memref_squeeze %dma_wait3A_214 : memref<1x128xi32, #tpu.memory_space<vmem>> -> memref<128xi32, #tpu.memory_space<vmem>>
    %dma_wait3A_216 = arith.constant 0 : i32
    %dma_wait3A_217 = arith.constant 0 : i32
    %dma_wait3A_218 = tpu.memref_slice %arg11[%dma_wait3A_216, %dma_wait3A_217] : memref<8192x32xf32, #tpu.memory_space<vmem_shared>> -> memref<8192x32xf32, #tpu.memory_space<vmem_shared>>
    tpu.wait_indirect_dma semaphore(%arg12 : memref<!tpu.dma_semaphore, #tpu.memory_space<semaphore_mem>>) src(%dma_wait3A_218 : memref<8192x32xf32, #tpu.memory_space<vmem_shared>>) dst(%dma_wait3A_212 : memref<128x32xf32, #tpu.memory_space<vmem>>)
    %dma_wait3A_219 = arith.constant 5 : i32
    %dma_wait3A_220 = arith.constant 5 : i32
    %dma_wait3A_221 = arith.constant 0 : i32
    %dma_wait3A_222 = arith.constant 0 : i32
    %dma_wait3A_223 = tpu.memref_slice %arg8[%dma_wait3A_220, %dma_wait3A_221, %dma_wait3A_222] : memref<8x128x32xf32, #tpu.memory_space<vmem>> -> memref<1x128x32xf32, #tpu.memory_space<vmem>>
    %dma_wait3A_224 = tpu.memref_squeeze %dma_wait3A_223 : memref<1x128x32xf32, #tpu.memory_space<vmem>> -> memref<128x32xf32, #tpu.memory_space<vmem>>
    %dma_wait3A_225 = arith.constant 0 : i32
    %dma_wait3A_226 = tpu.memref_slice %arg7[%dma_wait3A_219, %dma_wait3A_225] : memref<8x128xi32, #tpu.memory_space<vmem>> -> memref<1x128xi32, #tpu.memory_space<vmem>>
    %dma_wait3A_227 = tpu.memref_squeeze %dma_wait3A_226 : memref<1x128xi32, #tpu.memory_space<vmem>> -> memref<128xi32, #tpu.memory_space<vmem>>
    %dma_wait3A_228 = arith.constant 0 : i32
    %dma_wait3A_229 = arith.constant 0 : i32
    %dma_wait3A_230 = tpu.memref_slice %arg11[%dma_wait3A_228, %dma_wait3A_229] : memref<8192x32xf32, #tpu.memory_space<vmem_shared>> -> memref<8192x32xf32, #tpu.memory_space<vmem_shared>>
    tpu.wait_indirect_dma semaphore(%arg12 : memref<!tpu.dma_semaphore, #tpu.memory_space<semaphore_mem>>) src(%dma_wait3A_230 : memref<8192x32xf32, #tpu.memory_space<vmem_shared>>) dst(%dma_wait3A_224 : memref<128x32xf32, #tpu.memory_space<vmem>>)
    %dma_wait3A_231 = arith.constant 6 : i32
    %dma_wait3A_232 = arith.constant 6 : i32
    %dma_wait3A_233 = arith.constant 0 : i32
    %dma_wait3A_234 = arith.constant 0 : i32
    %dma_wait3A_235 = tpu.memref_slice %arg8[%dma_wait3A_232, %dma_wait3A_233, %dma_wait3A_234] : memref<8x128x32xf32, #tpu.memory_space<vmem>> -> memref<1x128x32xf32, #tpu.memory_space<vmem>>
    %dma_wait3A_236 = tpu.memref_squeeze %dma_wait3A_235 : memref<1x128x32xf32, #tpu.memory_space<vmem>> -> memref<128x32xf32, #tpu.memory_space<vmem>>
    %dma_wait3A_237 = arith.constant 0 : i32
    %dma_wait3A_238 = tpu.memref_slice %arg7[%dma_wait3A_231, %dma_wait3A_237] : memref<8x128xi32, #tpu.memory_space<vmem>> -> memref<1x128xi32, #tpu.memory_space<vmem>>
    %dma_wait3A_239 = tpu.memref_squeeze %dma_wait3A_238 : memref<1x128xi32, #tpu.memory_space<vmem>> -> memref<128xi32, #tpu.memory_space<vmem>>
    %dma_wait3A_240 = arith.constant 0 : i32
    %dma_wait3A_241 = arith.constant 0 : i32
    %dma_wait3A_242 = tpu.memref_slice %arg11[%dma_wait3A_240, %dma_wait3A_241] : memref<8192x32xf32, #tpu.memory_space<vmem_shared>> -> memref<8192x32xf32, #tpu.memory_space<vmem_shared>>
    tpu.wait_indirect_dma semaphore(%arg12 : memref<!tpu.dma_semaphore, #tpu.memory_space<semaphore_mem>>) src(%dma_wait3A_242 : memref<8192x32xf32, #tpu.memory_space<vmem_shared>>) dst(%dma_wait3A_236 : memref<128x32xf32, #tpu.memory_space<vmem>>)
    %dma_wait3A_243 = arith.constant 7 : i32
    %dma_wait3A_244 = arith.constant 7 : i32
    %dma_wait3A_245 = arith.constant 0 : i32
    %dma_wait3A_246 = arith.constant 0 : i32
    %dma_wait3A_247 = tpu.memref_slice %arg8[%dma_wait3A_244, %dma_wait3A_245, %dma_wait3A_246] : memref<8x128x32xf32, #tpu.memory_space<vmem>> -> memref<1x128x32xf32, #tpu.memory_space<vmem>>
    %dma_wait3A_248 = tpu.memref_squeeze %dma_wait3A_247 : memref<1x128x32xf32, #tpu.memory_space<vmem>> -> memref<128x32xf32, #tpu.memory_space<vmem>>
    %dma_wait3A_249 = arith.constant 0 : i32
    %dma_wait3A_250 = tpu.memref_slice %arg7[%dma_wait3A_243, %dma_wait3A_249] : memref<8x128xi32, #tpu.memory_space<vmem>> -> memref<1x128xi32, #tpu.memory_space<vmem>>
    %dma_wait3A_251 = tpu.memref_squeeze %dma_wait3A_250 : memref<1x128xi32, #tpu.memory_space<vmem>> -> memref<128xi32, #tpu.memory_space<vmem>>
    %dma_wait3A_252 = arith.constant 0 : i32
    %dma_wait3A_253 = arith.constant 0 : i32
    %dma_wait3A_254 = tpu.memref_slice %arg11[%dma_wait3A_252, %dma_wait3A_253] : memref<8192x32xf32, #tpu.memory_space<vmem_shared>> -> memref<8192x32xf32, #tpu.memory_space<vmem_shared>>
    tpu.wait_indirect_dma semaphore(%arg12 : memref<!tpu.dma_semaphore, #tpu.memory_space<semaphore_mem>>) src(%dma_wait3A_254 : memref<8192x32xf32, #tpu.memory_space<vmem_shared>>) dst(%dma_wait3A_248 : memref<128x32xf32, #tpu.memory_space<vmem>>)
    %add3A_255 = arith.constant 0 : i32
    %add3A_256 = arith.addi %mul3A_32, %add3A_255 : i32
    %mul3A_257 = arith.constant 32 : i32
    %mul3A_258 = arith.muli %select_n3A, %mul3A_257 : i32
    %run_scoped3A = arith.constant 0 : i32
    "tpu.region"() ({
      %run_scoped3A_345 = tpu.sem_alloc : memref<!tpu.dma_semaphore, #tpu.memory_space<semaphore_mem>>
      %dma_start3A_346 = arith.constant 0 : i32
      %dma_start3A_347 = arith.constant 0 : i32
      %dma_start3A_348 = tpu.memref_slice %arg8[%run_scoped3A, %dma_start3A_346, %dma_start3A_347] : memref<8x128x32xf32, #tpu.memory_space<vmem>> -> memref<1x128x32xf32, #tpu.memory_space<vmem>>
      %dma_start3A_349 = tpu.memref_squeeze %dma_start3A_348 : memref<1x128x32xf32, #tpu.memory_space<vmem>> -> memref<128x32xf32, #tpu.memory_space<vmem>>
      %dma_start3A_350 = tpu.memref_slice %arg5[%add3A_256, %mul3A_258] : memref<16384x64xf32, #tpu.memory_space<hbm>> -> memref<128x32xf32, #tpu.memory_space<hbm>>
      %dma_start3A_351 = tpu.memref_slice %arg5[%add3A_256, %mul3A_258] : memref<16384x64xf32, #tpu.memory_space<hbm>> -> memref<128x32xf32, #tpu.memory_space<hbm>>
      %dma_start3A_352 = arith.constant 0 : i32
      %dma_start3A_353 = arith.constant 0 : i32
      %dma_start3A_354 = tpu.memref_slice %arg8[%run_scoped3A, %dma_start3A_352, %dma_start3A_353] : memref<8x128x32xf32, #tpu.memory_space<vmem>> -> memref<1x128x32xf32, #tpu.memory_space<vmem>>
      %dma_start3A_355 = tpu.memref_squeeze %dma_start3A_354 : memref<1x128x32xf32, #tpu.memory_space<vmem>> -> memref<128x32xf32, #tpu.memory_space<vmem>>
      tpu.enqueue_dma source(%dma_start3A_355 : memref<128x32xf32, #tpu.memory_space<vmem>>) target(%dma_start3A_351 : memref<128x32xf32, #tpu.memory_space<hbm>>) target_semaphore(%run_scoped3A_345 : memref<!tpu.dma_semaphore, #tpu.memory_space<semaphore_mem>>)
      %dma_wait3A_356 = arith.constant 0 : i32
      %dma_wait3A_357 = arith.constant 0 : i32
      %dma_wait3A_358 = tpu.memref_slice %arg8[%run_scoped3A, %dma_wait3A_356, %dma_wait3A_357] : memref<8x128x32xf32, #tpu.memory_space<vmem>> -> memref<1x128x32xf32, #tpu.memory_space<vmem>>
      %dma_wait3A_359 = tpu.memref_squeeze %dma_wait3A_358 : memref<1x128x32xf32, #tpu.memory_space<vmem>> -> memref<128x32xf32, #tpu.memory_space<vmem>>
      %dma_wait3A_360 = tpu.memref_slice %arg5[%add3A_256, %mul3A_258] : memref<16384x64xf32, #tpu.memory_space<hbm>> -> memref<128x32xf32, #tpu.memory_space<hbm>>
      %dma_wait3A_361 = tpu.memref_slice %arg5[%add3A_256, %mul3A_258] : memref<16384x64xf32, #tpu.memory_space<hbm>> -> memref<128x32xf32, #tpu.memory_space<hbm>>
      %dma_wait3A_362 = arith.constant 0 : i32
      %dma_wait3A_363 = arith.constant 0 : i32
      %dma_wait3A_364 = tpu.memref_slice %arg8[%run_scoped3A, %dma_wait3A_362, %dma_wait3A_363] : memref<8x128x32xf32, #tpu.memory_space<vmem>> -> memref<1x128x32xf32, #tpu.memory_space<vmem>>
      %dma_wait3A_365 = tpu.memref_squeeze %dma_wait3A_364 : memref<1x128x32xf32, #tpu.memory_space<vmem>> -> memref<128x32xf32, #tpu.memory_space<vmem>>
      tpu.wait_dma2 semaphore(%run_scoped3A_345 : memref<!tpu.dma_semaphore, #tpu.memory_space<semaphore_mem>>) src(%dma_wait3A_365 : memref<128x32xf32, #tpu.memory_space<vmem>>) dst(%dma_wait3A_361 : memref<128x32xf32, #tpu.memory_space<hbm>>)
      tpu.yield
    }) : () -> ()
    %add3A_259 = arith.constant 128 : i32
    %add3A_260 = arith.addi %mul3A_32, %add3A_259 : i32
    %mul3A_261 = arith.constant 32 : i32
    %mul3A_262 = arith.muli %select_n3A, %mul3A_261 : i32
    %run_scoped3A_263 = arith.constant 1 : i32
    "tpu.region"() ({
      %run_scoped3A_345 = tpu.sem_alloc : memref<!tpu.dma_semaphore, #tpu.memory_space<semaphore_mem>>
      %dma_start3A_346 = arith.constant 0 : i32
      %dma_start3A_347 = arith.constant 0 : i32
      %dma_start3A_348 = tpu.memref_slice %arg8[%run_scoped3A_263, %dma_start3A_346, %dma_start3A_347] : memref<8x128x32xf32, #tpu.memory_space<vmem>> -> memref<1x128x32xf32, #tpu.memory_space<vmem>>
      %dma_start3A_349 = tpu.memref_squeeze %dma_start3A_348 : memref<1x128x32xf32, #tpu.memory_space<vmem>> -> memref<128x32xf32, #tpu.memory_space<vmem>>
      %dma_start3A_350 = tpu.memref_slice %arg5[%add3A_260, %mul3A_262] : memref<16384x64xf32, #tpu.memory_space<hbm>> -> memref<128x32xf32, #tpu.memory_space<hbm>>
      %dma_start3A_351 = tpu.memref_slice %arg5[%add3A_260, %mul3A_262] : memref<16384x64xf32, #tpu.memory_space<hbm>> -> memref<128x32xf32, #tpu.memory_space<hbm>>
      %dma_start3A_352 = arith.constant 0 : i32
      %dma_start3A_353 = arith.constant 0 : i32
      %dma_start3A_354 = tpu.memref_slice %arg8[%run_scoped3A_263, %dma_start3A_352, %dma_start3A_353] : memref<8x128x32xf32, #tpu.memory_space<vmem>> -> memref<1x128x32xf32, #tpu.memory_space<vmem>>
      %dma_start3A_355 = tpu.memref_squeeze %dma_start3A_354 : memref<1x128x32xf32, #tpu.memory_space<vmem>> -> memref<128x32xf32, #tpu.memory_space<vmem>>
      tpu.enqueue_dma source(%dma_start3A_355 : memref<128x32xf32, #tpu.memory_space<vmem>>) target(%dma_start3A_351 : memref<128x32xf32, #tpu.memory_space<hbm>>) target_semaphore(%run_scoped3A_345 : memref<!tpu.dma_semaphore, #tpu.memory_space<semaphore_mem>>)
      %dma_wait3A_356 = arith.constant 0 : i32
      %dma_wait3A_357 = arith.constant 0 : i32
      %dma_wait3A_358 = tpu.memref_slice %arg8[%run_scoped3A_263, %dma_wait3A_356, %dma_wait3A_357] : memref<8x128x32xf32, #tpu.memory_space<vmem>> -> memref<1x128x32xf32, #tpu.memory_space<vmem>>
      %dma_wait3A_359 = tpu.memref_squeeze %dma_wait3A_358 : memref<1x128x32xf32, #tpu.memory_space<vmem>> -> memref<128x32xf32, #tpu.memory_space<vmem>>
      %dma_wait3A_360 = tpu.memref_slice %arg5[%add3A_260, %mul3A_262] : memref<16384x64xf32, #tpu.memory_space<hbm>> -> memref<128x32xf32, #tpu.memory_space<hbm>>
      %dma_wait3A_361 = tpu.memref_slice %arg5[%add3A_260, %mul3A_262] : memref<16384x64xf32, #tpu.memory_space<hbm>> -> memref<128x32xf32, #tpu.memory_space<hbm>>
      %dma_wait3A_362 = arith.constant 0 : i32
      %dma_wait3A_363 = arith.constant 0 : i32
      %dma_wait3A_364 = tpu.memref_slice %arg8[%run_scoped3A_263, %dma_wait3A_362, %dma_wait3A_363] : memref<8x128x32xf32, #tpu.memory_space<vmem>> -> memref<1x128x32xf32, #tpu.memory_space<vmem>>
      %dma_wait3A_365 = tpu.memref_squeeze %dma_wait3A_364 : memref<1x128x32xf32, #tpu.memory_space<vmem>> -> memref<128x32xf32, #tpu.memory_space<vmem>>
      tpu.wait_dma2 semaphore(%run_scoped3A_345 : memref<!tpu.dma_semaphore, #tpu.memory_space<semaphore_mem>>) src(%dma_wait3A_365 : memref<128x32xf32, #tpu.memory_space<vmem>>) dst(%dma_wait3A_361 : memref<128x32xf32, #tpu.memory_space<hbm>>)
      tpu.yield
    }) : () -> ()
    %add3A_264 = arith.constant 256 : i32
    %add3A_265 = arith.addi %mul3A_32, %add3A_264 : i32
    %mul3A_266 = arith.constant 32 : i32
    %mul3A_267 = arith.muli %select_n3A, %mul3A_266 : i32
    %run_scoped3A_268 = arith.constant 2 : i32
    "tpu.region"() ({
      %run_scoped3A_345 = tpu.sem_alloc : memref<!tpu.dma_semaphore, #tpu.memory_space<semaphore_mem>>
      %dma_start3A_346 = arith.constant 0 : i32
      %dma_start3A_347 = arith.constant 0 : i32
      %dma_start3A_348 = tpu.memref_slice %arg8[%run_scoped3A_268, %dma_start3A_346, %dma_start3A_347] : memref<8x128x32xf32, #tpu.memory_space<vmem>> -> memref<1x128x32xf32, #tpu.memory_space<vmem>>
      %dma_start3A_349 = tpu.memref_squeeze %dma_start3A_348 : memref<1x128x32xf32, #tpu.memory_space<vmem>> -> memref<128x32xf32, #tpu.memory_space<vmem>>
      %dma_start3A_350 = tpu.memref_slice %arg5[%add3A_265, %mul3A_267] : memref<16384x64xf32, #tpu.memory_space<hbm>> -> memref<128x32xf32, #tpu.memory_space<hbm>>
      %dma_start3A_351 = tpu.memref_slice %arg5[%add3A_265, %mul3A_267] : memref<16384x64xf32, #tpu.memory_space<hbm>> -> memref<128x32xf32, #tpu.memory_space<hbm>>
      %dma_start3A_352 = arith.constant 0 : i32
      %dma_start3A_353 = arith.constant 0 : i32
      %dma_start3A_354 = tpu.memref_slice %arg8[%run_scoped3A_268, %dma_start3A_352, %dma_start3A_353] : memref<8x128x32xf32, #tpu.memory_space<vmem>> -> memref<1x128x32xf32, #tpu.memory_space<vmem>>
      %dma_start3A_355 = tpu.memref_squeeze %dma_start3A_354 : memref<1x128x32xf32, #tpu.memory_space<vmem>> -> memref<128x32xf32, #tpu.memory_space<vmem>>
      tpu.enqueue_dma source(%dma_start3A_355 : memref<128x32xf32, #tpu.memory_space<vmem>>) target(%dma_start3A_351 : memref<128x32xf32, #tpu.memory_space<hbm>>) target_semaphore(%run_scoped3A_345 : memref<!tpu.dma_semaphore, #tpu.memory_space<semaphore_mem>>)
      %dma_wait3A_356 = arith.constant 0 : i32
      %dma_wait3A_357 = arith.constant 0 : i32
      %dma_wait3A_358 = tpu.memref_slice %arg8[%run_scoped3A_268, %dma_wait3A_356, %dma_wait3A_357] : memref<8x128x32xf32, #tpu.memory_space<vmem>> -> memref<1x128x32xf32, #tpu.memory_space<vmem>>
      %dma_wait3A_359 = tpu.memref_squeeze %dma_wait3A_358 : memref<1x128x32xf32, #tpu.memory_space<vmem>> -> memref<128x32xf32, #tpu.memory_space<vmem>>
      %dma_wait3A_360 = tpu.memref_slice %arg5[%add3A_265, %mul3A_267] : memref<16384x64xf32, #tpu.memory_space<hbm>> -> memref<128x32xf32, #tpu.memory_space<hbm>>
      %dma_wait3A_361 = tpu.memref_slice %arg5[%add3A_265, %mul3A_267] : memref<16384x64xf32, #tpu.memory_space<hbm>> -> memref<128x32xf32, #tpu.memory_space<hbm>>
      %dma_wait3A_362 = arith.constant 0 : i32
      %dma_wait3A_363 = arith.constant 0 : i32
      %dma_wait3A_364 = tpu.memref_slice %arg8[%run_scoped3A_268, %dma_wait3A_362, %dma_wait3A_363] : memref<8x128x32xf32, #tpu.memory_space<vmem>> -> memref<1x128x32xf32, #tpu.memory_space<vmem>>
      %dma_wait3A_365 = tpu.memref_squeeze %dma_wait3A_364 : memref<1x128x32xf32, #tpu.memory_space<vmem>> -> memref<128x32xf32, #tpu.memory_space<vmem>>
      tpu.wait_dma2 semaphore(%run_scoped3A_345 : memref<!tpu.dma_semaphore, #tpu.memory_space<semaphore_mem>>) src(%dma_wait3A_365 : memref<128x32xf32, #tpu.memory_space<vmem>>) dst(%dma_wait3A_361 : memref<128x32xf32, #tpu.memory_space<hbm>>)
      tpu.yield
    }) : () -> ()
    %add3A_269 = arith.constant 384 : i32
    %add3A_270 = arith.addi %mul3A_32, %add3A_269 : i32
    %mul3A_271 = arith.constant 32 : i32
    %mul3A_272 = arith.muli %select_n3A, %mul3A_271 : i32
    %run_scoped3A_273 = arith.constant 3 : i32
    "tpu.region"() ({
      %run_scoped3A_345 = tpu.sem_alloc : memref<!tpu.dma_semaphore, #tpu.memory_space<semaphore_mem>>
      %dma_start3A_346 = arith.constant 0 : i32
      %dma_start3A_347 = arith.constant 0 : i32
      %dma_start3A_348 = tpu.memref_slice %arg8[%run_scoped3A_273, %dma_start3A_346, %dma_start3A_347] : memref<8x128x32xf32, #tpu.memory_space<vmem>> -> memref<1x128x32xf32, #tpu.memory_space<vmem>>
      %dma_start3A_349 = tpu.memref_squeeze %dma_start3A_348 : memref<1x128x32xf32, #tpu.memory_space<vmem>> -> memref<128x32xf32, #tpu.memory_space<vmem>>
      %dma_start3A_350 = tpu.memref_slice %arg5[%add3A_270, %mul3A_272] : memref<16384x64xf32, #tpu.memory_space<hbm>> -> memref<128x32xf32, #tpu.memory_space<hbm>>
      %dma_start3A_351 = tpu.memref_slice %arg5[%add3A_270, %mul3A_272] : memref<16384x64xf32, #tpu.memory_space<hbm>> -> memref<128x32xf32, #tpu.memory_space<hbm>>
      %dma_start3A_352 = arith.constant 0 : i32
      %dma_start3A_353 = arith.constant 0 : i32
      %dma_start3A_354 = tpu.memref_slice %arg8[%run_scoped3A_273, %dma_start3A_352, %dma_start3A_353] : memref<8x128x32xf32, #tpu.memory_space<vmem>> -> memref<1x128x32xf32, #tpu.memory_space<vmem>>
      %dma_start3A_355 = tpu.memref_squeeze %dma_start3A_354 : memref<1x128x32xf32, #tpu.memory_space<vmem>> -> memref<128x32xf32, #tpu.memory_space<vmem>>
      tpu.enqueue_dma source(%dma_start3A_355 : memref<128x32xf32, #tpu.memory_space<vmem>>) target(%dma_start3A_351 : memref<128x32xf32, #tpu.memory_space<hbm>>) target_semaphore(%run_scoped3A_345 : memref<!tpu.dma_semaphore, #tpu.memory_space<semaphore_mem>>)
      %dma_wait3A_356 = arith.constant 0 : i32
      %dma_wait3A_357 = arith.constant 0 : i32
      %dma_wait3A_358 = tpu.memref_slice %arg8[%run_scoped3A_273, %dma_wait3A_356, %dma_wait3A_357] : memref<8x128x32xf32, #tpu.memory_space<vmem>> -> memref<1x128x32xf32, #tpu.memory_space<vmem>>
      %dma_wait3A_359 = tpu.memref_squeeze %dma_wait3A_358 : memref<1x128x32xf32, #tpu.memory_space<vmem>> -> memref<128x32xf32, #tpu.memory_space<vmem>>
      %dma_wait3A_360 = tpu.memref_slice %arg5[%add3A_270, %mul3A_272] : memref<16384x64xf32, #tpu.memory_space<hbm>> -> memref<128x32xf32, #tpu.memory_space<hbm>>
      %dma_wait3A_361 = tpu.memref_slice %arg5[%add3A_270, %mul3A_272] : memref<16384x64xf32, #tpu.memory_space<hbm>> -> memref<128x32xf32, #tpu.memory_space<hbm>>
      %dma_wait3A_362 = arith.constant 0 : i32
      %dma_wait3A_363 = arith.constant 0 : i32
      %dma_wait3A_364 = tpu.memref_slice %arg8[%run_scoped3A_273, %dma_wait3A_362, %dma_wait3A_363] : memref<8x128x32xf32, #tpu.memory_space<vmem>> -> memref<1x128x32xf32, #tpu.memory_space<vmem>>
      %dma_wait3A_365 = tpu.memref_squeeze %dma_wait3A_364 : memref<1x128x32xf32, #tpu.memory_space<vmem>> -> memref<128x32xf32, #tpu.memory_space<vmem>>
      tpu.wait_dma2 semaphore(%run_scoped3A_345 : memref<!tpu.dma_semaphore, #tpu.memory_space<semaphore_mem>>) src(%dma_wait3A_365 : memref<128x32xf32, #tpu.memory_space<vmem>>) dst(%dma_wait3A_361 : memref<128x32xf32, #tpu.memory_space<hbm>>)
      tpu.yield
    }) : () -> ()
    %add3A_274 = arith.constant 512 : i32
    %add3A_275 = arith.addi %mul3A_32, %add3A_274 : i32
    %mul3A_276 = arith.constant 32 : i32
    %mul3A_277 = arith.muli %select_n3A, %mul3A_276 : i32
    %run_scoped3A_278 = arith.constant 4 : i32
    "tpu.region"() ({
      %run_scoped3A_345 = tpu.sem_alloc : memref<!tpu.dma_semaphore, #tpu.memory_space<semaphore_mem>>
      %dma_start3A_346 = arith.constant 0 : i32
      %dma_start3A_347 = arith.constant 0 : i32
      %dma_start3A_348 = tpu.memref_slice %arg8[%run_scoped3A_278, %dma_start3A_346, %dma_start3A_347] : memref<8x128x32xf32, #tpu.memory_space<vmem>> -> memref<1x128x32xf32, #tpu.memory_space<vmem>>
      %dma_start3A_349 = tpu.memref_squeeze %dma_start3A_348 : memref<1x128x32xf32, #tpu.memory_space<vmem>> -> memref<128x32xf32, #tpu.memory_space<vmem>>
      %dma_start3A_350 = tpu.memref_slice %arg5[%add3A_275, %mul3A_277] : memref<16384x64xf32, #tpu.memory_space<hbm>> -> memref<128x32xf32, #tpu.memory_space<hbm>>
      %dma_start3A_351 = tpu.memref_slice %arg5[%add3A_275, %mul3A_277] : memref<16384x64xf32, #tpu.memory_space<hbm>> -> memref<128x32xf32, #tpu.memory_space<hbm>>
      %dma_start3A_352 = arith.constant 0 : i32
      %dma_start3A_353 = arith.constant 0 : i32
      %dma_start3A_354 = tpu.memref_slice %arg8[%run_scoped3A_278, %dma_start3A_352, %dma_start3A_353] : memref<8x128x32xf32, #tpu.memory_space<vmem>> -> memref<1x128x32xf32, #tpu.memory_space<vmem>>
      %dma_start3A_355 = tpu.memref_squeeze %dma_start3A_354 : memref<1x128x32xf32, #tpu.memory_space<vmem>> -> memref<128x32xf32, #tpu.memory_space<vmem>>
      tpu.enqueue_dma source(%dma_start3A_355 : memref<128x32xf32, #tpu.memory_space<vmem>>) target(%dma_start3A_351 : memref<128x32xf32, #tpu.memory_space<hbm>>) target_semaphore(%run_scoped3A_345 : memref<!tpu.dma_semaphore, #tpu.memory_space<semaphore_mem>>)
      %dma_wait3A_356 = arith.constant 0 : i32
      %dma_wait3A_357 = arith.constant 0 : i32
      %dma_wait3A_358 = tpu.memref_slice %arg8[%run_scoped3A_278, %dma_wait3A_356, %dma_wait3A_357] : memref<8x128x32xf32, #tpu.memory_space<vmem>> -> memref<1x128x32xf32, #tpu.memory_space<vmem>>
      %dma_wait3A_359 = tpu.memref_squeeze %dma_wait3A_358 : memref<1x128x32xf32, #tpu.memory_space<vmem>> -> memref<128x32xf32, #tpu.memory_space<vmem>>
      %dma_wait3A_360 = tpu.memref_slice %arg5[%add3A_275, %mul3A_277] : memref<16384x64xf32, #tpu.memory_space<hbm>> -> memref<128x32xf32, #tpu.memory_space<hbm>>
      %dma_wait3A_361 = tpu.memref_slice %arg5[%add3A_275, %mul3A_277] : memref<16384x64xf32, #tpu.memory_space<hbm>> -> memref<128x32xf32, #tpu.memory_space<hbm>>
      %dma_wait3A_362 = arith.constant 0 : i32
      %dma_wait3A_363 = arith.constant 0 : i32
      %dma_wait3A_364 = tpu.memref_slice %arg8[%run_scoped3A_278, %dma_wait3A_362, %dma_wait3A_363] : memref<8x128x32xf32, #tpu.memory_space<vmem>> -> memref<1x128x32xf32, #tpu.memory_space<vmem>>
      %dma_wait3A_365 = tpu.memref_squeeze %dma_wait3A_364 : memref<1x128x32xf32, #tpu.memory_space<vmem>> -> memref<128x32xf32, #tpu.memory_space<vmem>>
      tpu.wait_dma2 semaphore(%run_scoped3A_345 : memref<!tpu.dma_semaphore, #tpu.memory_space<semaphore_mem>>) src(%dma_wait3A_365 : memref<128x32xf32, #tpu.memory_space<vmem>>) dst(%dma_wait3A_361 : memref<128x32xf32, #tpu.memory_space<hbm>>)
      tpu.yield
    }) : () -> ()
    %add3A_279 = arith.constant 640 : i32
    %add3A_280 = arith.addi %mul3A_32, %add3A_279 : i32
    %mul3A_281 = arith.constant 32 : i32
    %mul3A_282 = arith.muli %select_n3A, %mul3A_281 : i32
    %run_scoped3A_283 = arith.constant 5 : i32
    "tpu.region"() ({
      %run_scoped3A_345 = tpu.sem_alloc : memref<!tpu.dma_semaphore, #tpu.memory_space<semaphore_mem>>
      %dma_start3A_346 = arith.constant 0 : i32
      %dma_start3A_347 = arith.constant 0 : i32
      %dma_start3A_348 = tpu.memref_slice %arg8[%run_scoped3A_283, %dma_start3A_346, %dma_start3A_347] : memref<8x128x32xf32, #tpu.memory_space<vmem>> -> memref<1x128x32xf32, #tpu.memory_space<vmem>>
      %dma_start3A_349 = tpu.memref_squeeze %dma_start3A_348 : memref<1x128x32xf32, #tpu.memory_space<vmem>> -> memref<128x32xf32, #tpu.memory_space<vmem>>
      %dma_start3A_350 = tpu.memref_slice %arg5[%add3A_280, %mul3A_282] : memref<16384x64xf32, #tpu.memory_space<hbm>> -> memref<128x32xf32, #tpu.memory_space<hbm>>
      %dma_start3A_351 = tpu.memref_slice %arg5[%add3A_280, %mul3A_282] : memref<16384x64xf32, #tpu.memory_space<hbm>> -> memref<128x32xf32, #tpu.memory_space<hbm>>
      %dma_start3A_352 = arith.constant 0 : i32
      %dma_start3A_353 = arith.constant 0 : i32
      %dma_start3A_354 = tpu.memref_slice %arg8[%run_scoped3A_283, %dma_start3A_352, %dma_start3A_353] : memref<8x128x32xf32, #tpu.memory_space<vmem>> -> memref<1x128x32xf32, #tpu.memory_space<vmem>>
      %dma_start3A_355 = tpu.memref_squeeze %dma_start3A_354 : memref<1x128x32xf32, #tpu.memory_space<vmem>> -> memref<128x32xf32, #tpu.memory_space<vmem>>
      tpu.enqueue_dma source(%dma_start3A_355 : memref<128x32xf32, #tpu.memory_space<vmem>>) target(%dma_start3A_351 : memref<128x32xf32, #tpu.memory_space<hbm>>) target_semaphore(%run_scoped3A_345 : memref<!tpu.dma_semaphore, #tpu.memory_space<semaphore_mem>>)
      %dma_wait3A_356 = arith.constant 0 : i32
      %dma_wait3A_357 = arith.constant 0 : i32
      %dma_wait3A_358 = tpu.memref_slice %arg8[%run_scoped3A_283, %dma_wait3A_356, %dma_wait3A_357] : memref<8x128x32xf32, #tpu.memory_space<vmem>> -> memref<1x128x32xf32, #tpu.memory_space<vmem>>
      %dma_wait3A_359 = tpu.memref_squeeze %dma_wait3A_358 : memref<1x128x32xf32, #tpu.memory_space<vmem>> -> memref<128x32xf32, #tpu.memory_space<vmem>>
      %dma_wait3A_360 = tpu.memref_slice %arg5[%add3A_280, %mul3A_282] : memref<16384x64xf32, #tpu.memory_space<hbm>> -> memref<128x32xf32, #tpu.memory_space<hbm>>
      %dma_wait3A_361 = tpu.memref_slice %arg5[%add3A_280, %mul3A_282] : memref<16384x64xf32, #tpu.memory_space<hbm>> -> memref<128x32xf32, #tpu.memory_space<hbm>>
      %dma_wait3A_362 = arith.constant 0 : i32
      %dma_wait3A_363 = arith.constant 0 : i32
      %dma_wait3A_364 = tpu.memref_slice %arg8[%run_scoped3A_283, %dma_wait3A_362, %dma_wait3A_363] : memref<8x128x32xf32, #tpu.memory_space<vmem>> -> memref<1x128x32xf32, #tpu.memory_space<vmem>>
      %dma_wait3A_365 = tpu.memref_squeeze %dma_wait3A_364 : memref<1x128x32xf32, #tpu.memory_space<vmem>> -> memref<128x32xf32, #tpu.memory_space<vmem>>
      tpu.wait_dma2 semaphore(%run_scoped3A_345 : memref<!tpu.dma_semaphore, #tpu.memory_space<semaphore_mem>>) src(%dma_wait3A_365 : memref<128x32xf32, #tpu.memory_space<vmem>>) dst(%dma_wait3A_361 : memref<128x32xf32, #tpu.memory_space<hbm>>)
      tpu.yield
    }) : () -> ()
    %add3A_284 = arith.constant 768 : i32
    %add3A_285 = arith.addi %mul3A_32, %add3A_284 : i32
    %mul3A_286 = arith.constant 32 : i32
    %mul3A_287 = arith.muli %select_n3A, %mul3A_286 : i32
    %run_scoped3A_288 = arith.constant 6 : i32
    "tpu.region"() ({
      %run_scoped3A_345 = tpu.sem_alloc : memref<!tpu.dma_semaphore, #tpu.memory_space<semaphore_mem>>
      %dma_start3A_346 = arith.constant 0 : i32
      %dma_start3A_347 = arith.constant 0 : i32
      %dma_start3A_348 = tpu.memref_slice %arg8[%run_scoped3A_288, %dma_start3A_346, %dma_start3A_347] : memref<8x128x32xf32, #tpu.memory_space<vmem>> -> memref<1x128x32xf32, #tpu.memory_space<vmem>>
      %dma_start3A_349 = tpu.memref_squeeze %dma_start3A_348 : memref<1x128x32xf32, #tpu.memory_space<vmem>> -> memref<128x32xf32, #tpu.memory_space<vmem>>
      %dma_start3A_350 = tpu.memref_slice %arg5[%add3A_285, %mul3A_287] : memref<16384x64xf32, #tpu.memory_space<hbm>> -> memref<128x32xf32, #tpu.memory_space<hbm>>
      %dma_start3A_351 = tpu.memref_slice %arg5[%add3A_285, %mul3A_287] : memref<16384x64xf32, #tpu.memory_space<hbm>> -> memref<128x32xf32, #tpu.memory_space<hbm>>
      %dma_start3A_352 = arith.constant 0 : i32
      %dma_start3A_353 = arith.constant 0 : i32
      %dma_start3A_354 = tpu.memref_slice %arg8[%run_scoped3A_288, %dma_start3A_352, %dma_start3A_353] : memref<8x128x32xf32, #tpu.memory_space<vmem>> -> memref<1x128x32xf32, #tpu.memory_space<vmem>>
      %dma_start3A_355 = tpu.memref_squeeze %dma_start3A_354 : memref<1x128x32xf32, #tpu.memory_space<vmem>> -> memref<128x32xf32, #tpu.memory_space<vmem>>
      tpu.enqueue_dma source(%dma_start3A_355 : memref<128x32xf32, #tpu.memory_space<vmem>>) target(%dma_start3A_351 : memref<128x32xf32, #tpu.memory_space<hbm>>) target_semaphore(%run_scoped3A_345 : memref<!tpu.dma_semaphore, #tpu.memory_space<semaphore_mem>>)
      %dma_wait3A_356 = arith.constant 0 : i32
      %dma_wait3A_357 = arith.constant 0 : i32
      %dma_wait3A_358 = tpu.memref_slice %arg8[%run_scoped3A_288, %dma_wait3A_356, %dma_wait3A_357] : memref<8x128x32xf32, #tpu.memory_space<vmem>> -> memref<1x128x32xf32, #tpu.memory_space<vmem>>
      %dma_wait3A_359 = tpu.memref_squeeze %dma_wait3A_358 : memref<1x128x32xf32, #tpu.memory_space<vmem>> -> memref<128x32xf32, #tpu.memory_space<vmem>>
      %dma_wait3A_360 = tpu.memref_slice %arg5[%add3A_285, %mul3A_287] : memref<16384x64xf32, #tpu.memory_space<hbm>> -> memref<128x32xf32, #tpu.memory_space<hbm>>
      %dma_wait3A_361 = tpu.memref_slice %arg5[%add3A_285, %mul3A_287] : memref<16384x64xf32, #tpu.memory_space<hbm>> -> memref<128x32xf32, #tpu.memory_space<hbm>>
      %dma_wait3A_362 = arith.constant 0 : i32
      %dma_wait3A_363 = arith.constant 0 : i32
      %dma_wait3A_364 = tpu.memref_slice %arg8[%run_scoped3A_288, %dma_wait3A_362, %dma_wait3A_363] : memref<8x128x32xf32, #tpu.memory_space<vmem>> -> memref<1x128x32xf32, #tpu.memory_space<vmem>>
      %dma_wait3A_365 = tpu.memref_squeeze %dma_wait3A_364 : memref<1x128x32xf32, #tpu.memory_space<vmem>> -> memref<128x32xf32, #tpu.memory_space<vmem>>
      tpu.wait_dma2 semaphore(%run_scoped3A_345 : memref<!tpu.dma_semaphore, #tpu.memory_space<semaphore_mem>>) src(%dma_wait3A_365 : memref<128x32xf32, #tpu.memory_space<vmem>>) dst(%dma_wait3A_361 : memref<128x32xf32, #tpu.memory_space<hbm>>)
      tpu.yield
    }) : () -> ()
    %add3A_289 = arith.constant 896 : i32
    %add3A_290 = arith.addi %mul3A_32, %add3A_289 : i32
    %mul3A_291 = arith.constant 32 : i32
    %mul3A_292 = arith.muli %select_n3A, %mul3A_291 : i32
    %run_scoped3A_293 = arith.constant 7 : i32
    "tpu.region"() ({
      %run_scoped3A_345 = tpu.sem_alloc : memref<!tpu.dma_semaphore, #tpu.memory_space<semaphore_mem>>
      %dma_start3A_346 = arith.constant 0 : i32
      %dma_start3A_347 = arith.constant 0 : i32
      %dma_start3A_348 = tpu.memref_slice %arg8[%run_scoped3A_293, %dma_start3A_346, %dma_start3A_347] : memref<8x128x32xf32, #tpu.memory_space<vmem>> -> memref<1x128x32xf32, #tpu.memory_space<vmem>>
      %dma_start3A_349 = tpu.memref_squeeze %dma_start3A_348 : memref<1x128x32xf32, #tpu.memory_space<vmem>> -> memref<128x32xf32, #tpu.memory_space<vmem>>
      %dma_start3A_350 = tpu.memref_slice %arg5[%add3A_290, %mul3A_292] : memref<16384x64xf32, #tpu.memory_space<hbm>> -> memref<128x32xf32, #tpu.memory_space<hbm>>
      %dma_start3A_351 = tpu.memref_slice %arg5[%add3A_290, %mul3A_292] : memref<16384x64xf32, #tpu.memory_space<hbm>> -> memref<128x32xf32, #tpu.memory_space<hbm>>
      %dma_start3A_352 = arith.constant 0 : i32
      %dma_start3A_353 = arith.constant 0 : i32
      %dma_start3A_354 = tpu.memref_slice %arg8[%run_scoped3A_293, %dma_start3A_352, %dma_start3A_353] : memref<8x128x32xf32, #tpu.memory_space<vmem>> -> memref<1x128x32xf32, #tpu.memory_space<vmem>>
      %dma_start3A_355 = tpu.memref_squeeze %dma_start3A_354 : memref<1x128x32xf32, #tpu.memory_space<vmem>> -> memref<128x32xf32, #tpu.memory_space<vmem>>
      tpu.enqueue_dma source(%dma_start3A_355 : memref<128x32xf32, #tpu.memory_space<vmem>>) target(%dma_start3A_351 : memref<128x32xf32, #tpu.memory_space<hbm>>) target_semaphore(%run_scoped3A_345 : memref<!tpu.dma_semaphore, #tpu.memory_space<semaphore_mem>>)
      %dma_wait3A_356 = arith.constant 0 : i32
      %dma_wait3A_357 = arith.constant 0 : i32
      %dma_wait3A_358 = tpu.memref_slice %arg8[%run_scoped3A_293, %dma_wait3A_356, %dma_wait3A_357] : memref<8x128x32xf32, #tpu.memory_space<vmem>> -> memref<1x128x32xf32, #tpu.memory_space<vmem>>
      %dma_wait3A_359 = tpu.memref_squeeze %dma_wait3A_358 : memref<1x128x32xf32, #tpu.memory_space<vmem>> -> memref<128x32xf32, #tpu.memory_space<vmem>>
      %dma_wait3A_360 = tpu.memref_slice %arg5[%add3A_290, %mul3A_292] : memref<16384x64xf32, #tpu.memory_space<hbm>> -> memref<128x32xf32, #tpu.memory_space<hbm>>
      %dma_wait3A_361 = tpu.memref_slice %arg5[%add3A_290, %mul3A_292] : memref<16384x64xf32, #tpu.memory_space<hbm>> -> memref<128x32xf32, #tpu.memory_space<hbm>>
      %dma_wait3A_362 = arith.constant 0 : i32
      %dma_wait3A_363 = arith.constant 0 : i32
      %dma_wait3A_364 = tpu.memref_slice %arg8[%run_scoped3A_293, %dma_wait3A_362, %dma_wait3A_363] : memref<8x128x32xf32, #tpu.memory_space<vmem>> -> memref<1x128x32xf32, #tpu.memory_space<vmem>>
      %dma_wait3A_365 = tpu.memref_squeeze %dma_wait3A_364 : memref<1x128x32xf32, #tpu.memory_space<vmem>> -> memref<128x32xf32, #tpu.memory_space<vmem>>
      tpu.wait_dma2 semaphore(%run_scoped3A_345 : memref<!tpu.dma_semaphore, #tpu.memory_space<semaphore_mem>>) src(%dma_wait3A_365 : memref<128x32xf32, #tpu.memory_space<vmem>>) dst(%dma_wait3A_361 : memref<128x32xf32, #tpu.memory_space<hbm>>)
      tpu.yield
    }) : () -> ()
    %broadcast_in_dim3A = arith.constant 0.000000e+00 : f32
    %broadcast_in_dim3A_294 = vector.broadcast %broadcast_in_dim3A : f32 to vector<16xf32>
    %swap3A = arith.constant 0 : index
    %swap3A_295 = tpu.vector_load %arg10[%swap3A] {strides = array<i32>} : memref<16xf32, #tpu.memory_space<vmem>>, vector<16xf32>,
    %swap3A_296 = vector.shape_cast %swap3A_295 : vector<16xf32> to vector<16xf32>
    %swap3A_297 = vector.shape_cast %broadcast_in_dim3A_294 : vector<16xf32> to vector<16xf32>
    tpu.vector_store %arg10[%swap3A], %swap3A_297 {strides = array<i32>} : memref<16xf32, #tpu.memory_space<vmem>>, vector<16xf32>,
    %scan3A = arith.constant 0 : i32
    %scan3A_298 = arith.constant 0 : i32
    %scan3A_299 = arith.constant 128 : i32
    %scan3A_300 = arith.addi %scan3A_298, %scan3A_299 : i32
    %scan3A_301 = arith.constant 1 : i32
    scf.for %scan3A_345 = %scan3A_298 to %scan3A_300 step %scan3A_301  : i32 {
      %get3A = arith.index_cast %scan3A : i32 to index
      %get3A_346 = arith.index_cast %scan3A_345 : i32 to index
      %get3A_347 = arith.constant 0 : index
      %get3A_348 = tpu.vector_load %arg8[%get3A, %get3A_346, %get3A_347] {strides = array<i32>} : memref<8x128x32xf32, #tpu.memory_space<vmem>>, vector<1x1x16xf32>,
      %get3A_349 = vector.shape_cast %get3A_348 : vector<1x1x16xf32> to vector<16xf32>
      %mul3A_350 = arith.constant 128 : i32
      %mul3A_351 = arith.muli %scan3A, %mul3A_350 : i32
      %add3A_352 = arith.addi %mul3A_351, %scan3A_345 : i32
      %get3A_353 = arith.index_cast %add3A_352 : i32 to index
      %get3A_354 = arith.constant 0 : index
      %get3A_355 = tpu.vector_load %arg9[%get3A_353, %get3A_354] {strides = array<i32>} : memref<1024x32xf32, #tpu.memory_space<vmem>>, vector<1x16xf32>,
      %get3A_356 = vector.shape_cast %get3A_355 : vector<1x16xf32> to vector<16xf32>
      %sub3A_357 = arith.subf %get3A_349, %get3A_356 : vector<16xf32>
      %get3A_358 = arith.index_cast %scan3A : i32 to index
      %get3A_359 = arith.index_cast %scan3A_345 : i32 to index
      %get3A_360 = arith.constant 16 : index
      %get3A_361 = tpu.vector_load %arg8[%get3A_358, %get3A_359, %get3A_360] {strides = array<i32>} : memref<8x128x32xf32, #tpu.memory_space<vmem>>, vector<1x1x16xf32>,
      %get3A_362 = vector.shape_cast %get3A_361 : vector<1x1x16xf32> to vector<16xf32>
      %mul3A_363 = arith.constant 128 : i32
      %mul3A_364 = arith.muli %scan3A, %mul3A_363 : i32
      %add3A_365 = arith.addi %mul3A_364, %scan3A_345 : i32
      %get3A_366 = arith.index_cast %add3A_365 : i32 to index
      %get3A_367 = arith.constant 16 : index
      %get3A_368 = tpu.vector_load %arg9[%get3A_366, %get3A_367] {strides = array<i32>} : memref<1024x32xf32, #tpu.memory_space<vmem>>, vector<1x16xf32>,
      %get3A_369 = vector.shape_cast %get3A_368 : vector<1x16xf32> to vector<16xf32>
      %sub3A_370 = arith.subf %get3A_362, %get3A_369 : vector<16xf32>
      %get3A_371 = arith.constant 0 : index
      %get3A_372 = tpu.vector_load %arg10[%get3A_371] {strides = array<i32>} : memref<16xf32, #tpu.memory_space<vmem>>, vector<16xf32>,
      %get3A_373 = vector.shape_cast %get3A_372 : vector<16xf32> to vector<16xf32>
      %mul3A_374 = arith.mulf %sub3A_357, %sub3A_357 : vector<16xf32>
      %add3A_375 = arith.addf %get3A_373, %mul3A_374 : vector<16xf32>
      %mul3A_376 = arith.mulf %sub3A_370, %sub3A_370 : vector<16xf32>
      %add3A_377 = arith.addf %add3A_375, %mul3A_376 : vector<16xf32>
      %swap3A_378 = arith.constant 0 : index
      %swap3A_379 = tpu.vector_load %arg10[%swap3A_378] {strides = array<i32>} : memref<16xf32, #tpu.memory_space<vmem>>, vector<16xf32>,
      %swap3A_380 = vector.shape_cast %swap3A_379 : vector<16xf32> to vector<16xf32>
      %swap3A_381 = vector.shape_cast %add3A_377 : vector<16xf32> to vector<16xf32>
      tpu.vector_store %arg10[%swap3A_378], %swap3A_381 {strides = array<i32>} : memref<16xf32, #tpu.memory_space<vmem>>, vector<16xf32>,
    }
    %scan3A_302 = arith.constant 128 : i32
    %scan3A_303 = arith.constant 1 : i32
    %scan3A_304 = arith.constant 0 : i32
    %scan3A_305 = arith.constant 128 : i32
    %scan3A_306 = arith.addi %scan3A_304, %scan3A_305 : i32
    %scan3A_307 = arith.constant 1 : i32
    scf.for %scan3A_345 = %scan3A_304 to %scan3A_306 step %scan3A_307  : i32 {
      %get3A = arith.index_cast %scan3A_303 : i32 to index
      %get3A_346 = arith.index_cast %scan3A_345 : i32 to index
      %get3A_347 = arith.constant 0 : index
      %get3A_348 = tpu.vector_load %arg8[%get3A, %get3A_346, %get3A_347] {strides = array<i32>} : memref<8x128x32xf32, #tpu.memory_space<vmem>>, vector<1x1x16xf32>,
      %get3A_349 = vector.shape_cast %get3A_348 : vector<1x1x16xf32> to vector<16xf32>
      %mul3A_350 = arith.constant 128 : i32
      %mul3A_351 = arith.muli %scan3A_303, %mul3A_350 : i32
      %add3A_352 = arith.addi %mul3A_351, %scan3A_345 : i32
      %get3A_353 = arith.index_cast %add3A_352 : i32 to index
      %get3A_354 = arith.constant 0 : index
      %get3A_355 = tpu.vector_load %arg9[%get3A_353, %get3A_354] {strides = array<i32>} : memref<1024x32xf32, #tpu.memory_space<vmem>>, vector<1x16xf32>,
      %get3A_356 = vector.shape_cast %get3A_355 : vector<1x16xf32> to vector<16xf32>
      %sub3A_357 = arith.subf %get3A_349, %get3A_356 : vector<16xf32>
      %get3A_358 = arith.index_cast %scan3A_303 : i32 to index
      %get3A_359 = arith.index_cast %scan3A_345 : i32 to index
      %get3A_360 = arith.constant 16 : index
      %get3A_361 = tpu.vector_load %arg8[%get3A_358, %get3A_359, %get3A_360] {strides = array<i32>} : memref<8x128x32xf32, #tpu.memory_space<vmem>>, vector<1x1x16xf32>,
      %get3A_362 = vector.shape_cast %get3A_361 : vector<1x1x16xf32> to vector<16xf32>
      %mul3A_363 = arith.constant 128 : i32
      %mul3A_364 = arith.muli %scan3A_303, %mul3A_363 : i32
      %add3A_365 = arith.addi %mul3A_364, %scan3A_345 : i32
      %get3A_366 = arith.index_cast %add3A_365 : i32 to index
      %get3A_367 = arith.constant 16 : index
      %get3A_368 = tpu.vector_load %arg9[%get3A_366, %get3A_367] {strides = array<i32>} : memref<1024x32xf32, #tpu.memory_space<vmem>>, vector<1x16xf32>,
      %get3A_369 = vector.shape_cast %get3A_368 : vector<1x16xf32> to vector<16xf32>
      %sub3A_370 = arith.subf %get3A_362, %get3A_369 : vector<16xf32>
      %get3A_371 = arith.constant 0 : index
      %get3A_372 = tpu.vector_load %arg10[%get3A_371] {strides = array<i32>} : memref<16xf32, #tpu.memory_space<vmem>>, vector<16xf32>,
      %get3A_373 = vector.shape_cast %get3A_372 : vector<16xf32> to vector<16xf32>
      %mul3A_374 = arith.mulf %sub3A_357, %sub3A_357 : vector<16xf32>
      %add3A_375 = arith.addf %get3A_373, %mul3A_374 : vector<16xf32>
      %mul3A_376 = arith.mulf %sub3A_370, %sub3A_370 : vector<16xf32>
      %add3A_377 = arith.addf %add3A_375, %mul3A_376 : vector<16xf32>
      %swap3A_378 = arith.constant 0 : index
      %swap3A_379 = tpu.vector_load %arg10[%swap3A_378] {strides = array<i32>} : memref<16xf32, #tpu.memory_space<vmem>>, vector<16xf32>,
      %swap3A_380 = vector.shape_cast %swap3A_379 : vector<16xf32> to vector<16xf32>
      %swap3A_381 = vector.shape_cast %add3A_377 : vector<16xf32> to vector<16xf32>
      tpu.vector_store %arg10[%swap3A_378], %swap3A_381 {strides = array<i32>} : memref<16xf32, #tpu.memory_space<vmem>>, vector<16xf32>,
    }
    %scan3A_308 = arith.constant 128 : i32
    %scan3A_309 = arith.constant 2 : i32
    %scan3A_310 = arith.constant 0 : i32
    %scan3A_311 = arith.constant 128 : i32
    %scan3A_312 = arith.addi %scan3A_310, %scan3A_311 : i32
    %scan3A_313 = arith.constant 1 : i32
    scf.for %scan3A_345 = %scan3A_310 to %scan3A_312 step %scan3A_313  : i32 {
      %get3A = arith.index_cast %scan3A_309 : i32 to index
      %get3A_346 = arith.index_cast %scan3A_345 : i32 to index
      %get3A_347 = arith.constant 0 : index
      %get3A_348 = tpu.vector_load %arg8[%get3A, %get3A_346, %get3A_347] {strides = array<i32>} : memref<8x128x32xf32, #tpu.memory_space<vmem>>, vector<1x1x16xf32>,
      %get3A_349 = vector.shape_cast %get3A_348 : vector<1x1x16xf32> to vector<16xf32>
      %mul3A_350 = arith.constant 128 : i32
      %mul3A_351 = arith.muli %scan3A_309, %mul3A_350 : i32
      %add3A_352 = arith.addi %mul3A_351, %scan3A_345 : i32
      %get3A_353 = arith.index_cast %add3A_352 : i32 to index
      %get3A_354 = arith.constant 0 : index
      %get3A_355 = tpu.vector_load %arg9[%get3A_353, %get3A_354] {strides = array<i32>} : memref<1024x32xf32, #tpu.memory_space<vmem>>, vector<1x16xf32>,
      %get3A_356 = vector.shape_cast %get3A_355 : vector<1x16xf32> to vector<16xf32>
      %sub3A_357 = arith.subf %get3A_349, %get3A_356 : vector<16xf32>
      %get3A_358 = arith.index_cast %scan3A_309 : i32 to index
      %get3A_359 = arith.index_cast %scan3A_345 : i32 to index
      %get3A_360 = arith.constant 16 : index
      %get3A_361 = tpu.vector_load %arg8[%get3A_358, %get3A_359, %get3A_360] {strides = array<i32>} : memref<8x128x32xf32, #tpu.memory_space<vmem>>, vector<1x1x16xf32>,
      %get3A_362 = vector.shape_cast %get3A_361 : vector<1x1x16xf32> to vector<16xf32>
      %mul3A_363 = arith.constant 128 : i32
      %mul3A_364 = arith.muli %scan3A_309, %mul3A_363 : i32
      %add3A_365 = arith.addi %mul3A_364, %scan3A_345 : i32
      %get3A_366 = arith.index_cast %add3A_365 : i32 to index
      %get3A_367 = arith.constant 16 : index
      %get3A_368 = tpu.vector_load %arg9[%get3A_366, %get3A_367] {strides = array<i32>} : memref<1024x32xf32, #tpu.memory_space<vmem>>, vector<1x16xf32>,
      %get3A_369 = vector.shape_cast %get3A_368 : vector<1x16xf32> to vector<16xf32>
      %sub3A_370 = arith.subf %get3A_362, %get3A_369 : vector<16xf32>
      %get3A_371 = arith.constant 0 : index
      %get3A_372 = tpu.vector_load %arg10[%get3A_371] {strides = array<i32>} : memref<16xf32, #tpu.memory_space<vmem>>, vector<16xf32>,
      %get3A_373 = vector.shape_cast %get3A_372 : vector<16xf32> to vector<16xf32>
      %mul3A_374 = arith.mulf %sub3A_357, %sub3A_357 : vector<16xf32>
      %add3A_375 = arith.addf %get3A_373, %mul3A_374 : vector<16xf32>
      %mul3A_376 = arith.mulf %sub3A_370, %sub3A_370 : vector<16xf32>
      %add3A_377 = arith.addf %add3A_375, %mul3A_376 : vector<16xf32>
      %swap3A_378 = arith.constant 0 : index
      %swap3A_379 = tpu.vector_load %arg10[%swap3A_378] {strides = array<i32>} : memref<16xf32, #tpu.memory_space<vmem>>, vector<16xf32>,
      %swap3A_380 = vector.shape_cast %swap3A_379 : vector<16xf32> to vector<16xf32>
      %swap3A_381 = vector.shape_cast %add3A_377 : vector<16xf32> to vector<16xf32>
      tpu.vector_store %arg10[%swap3A_378], %swap3A_381 {strides = array<i32>} : memref<16xf32, #tpu.memory_space<vmem>>, vector<16xf32>,
    }
    %scan3A_314 = arith.constant 128 : i32
    %scan3A_315 = arith.constant 3 : i32
    %scan3A_316 = arith.constant 0 : i32
    %scan3A_317 = arith.constant 128 : i32
    %scan3A_318 = arith.addi %scan3A_316, %scan3A_317 : i32
    %scan3A_319 = arith.constant 1 : i32
    scf.for %scan3A_345 = %scan3A_316 to %scan3A_318 step %scan3A_319  : i32 {
      %get3A = arith.index_cast %scan3A_315 : i32 to index
      %get3A_346 = arith.index_cast %scan3A_345 : i32 to index
      %get3A_347 = arith.constant 0 : index
      %get3A_348 = tpu.vector_load %arg8[%get3A, %get3A_346, %get3A_347] {strides = array<i32>} : memref<8x128x32xf32, #tpu.memory_space<vmem>>, vector<1x1x16xf32>,
      %get3A_349 = vector.shape_cast %get3A_348 : vector<1x1x16xf32> to vector<16xf32>
      %mul3A_350 = arith.constant 128 : i32
      %mul3A_351 = arith.muli %scan3A_315, %mul3A_350 : i32
      %add3A_352 = arith.addi %mul3A_351, %scan3A_345 : i32
      %get3A_353 = arith.index_cast %add3A_352 : i32 to index
      %get3A_354 = arith.constant 0 : index
      %get3A_355 = tpu.vector_load %arg9[%get3A_353, %get3A_354] {strides = array<i32>} : memref<1024x32xf32, #tpu.memory_space<vmem>>, vector<1x16xf32>,
      %get3A_356 = vector.shape_cast %get3A_355 : vector<1x16xf32> to vector<16xf32>
      %sub3A_357 = arith.subf %get3A_349, %get3A_356 : vector<16xf32>
      %get3A_358 = arith.index_cast %scan3A_315 : i32 to index
      %get3A_359 = arith.index_cast %scan3A_345 : i32 to index
      %get3A_360 = arith.constant 16 : index
      %get3A_361 = tpu.vector_load %arg8[%get3A_358, %get3A_359, %get3A_360] {strides = array<i32>} : memref<8x128x32xf32, #tpu.memory_space<vmem>>, vector<1x1x16xf32>,
      %get3A_362 = vector.shape_cast %get3A_361 : vector<1x1x16xf32> to vector<16xf32>
      %mul3A_363 = arith.constant 128 : i32
      %mul3A_364 = arith.muli %scan3A_315, %mul3A_363 : i32
      %add3A_365 = arith.addi %mul3A_364, %scan3A_345 : i32
      %get3A_366 = arith.index_cast %add3A_365 : i32 to index
      %get3A_367 = arith.constant 16 : index
      %get3A_368 = tpu.vector_load %arg9[%get3A_366, %get3A_367] {strides = array<i32>} : memref<1024x32xf32, #tpu.memory_space<vmem>>, vector<1x16xf32>,
      %get3A_369 = vector.shape_cast %get3A_368 : vector<1x16xf32> to vector<16xf32>
      %sub3A_370 = arith.subf %get3A_362, %get3A_369 : vector<16xf32>
      %get3A_371 = arith.constant 0 : index
      %get3A_372 = tpu.vector_load %arg10[%get3A_371] {strides = array<i32>} : memref<16xf32, #tpu.memory_space<vmem>>, vector<16xf32>,
      %get3A_373 = vector.shape_cast %get3A_372 : vector<16xf32> to vector<16xf32>
      %mul3A_374 = arith.mulf %sub3A_357, %sub3A_357 : vector<16xf32>
      %add3A_375 = arith.addf %get3A_373, %mul3A_374 : vector<16xf32>
      %mul3A_376 = arith.mulf %sub3A_370, %sub3A_370 : vector<16xf32>
      %add3A_377 = arith.addf %add3A_375, %mul3A_376 : vector<16xf32>
      %swap3A_378 = arith.constant 0 : index
      %swap3A_379 = tpu.vector_load %arg10[%swap3A_378] {strides = array<i32>} : memref<16xf32, #tpu.memory_space<vmem>>, vector<16xf32>,
      %swap3A_380 = vector.shape_cast %swap3A_379 : vector<16xf32> to vector<16xf32>
      %swap3A_381 = vector.shape_cast %add3A_377 : vector<16xf32> to vector<16xf32>
      tpu.vector_store %arg10[%swap3A_378], %swap3A_381 {strides = array<i32>} : memref<16xf32, #tpu.memory_space<vmem>>, vector<16xf32>,
    }
    %scan3A_320 = arith.constant 128 : i32
    %scan3A_321 = arith.constant 4 : i32
    %scan3A_322 = arith.constant 0 : i32
    %scan3A_323 = arith.constant 128 : i32
    %scan3A_324 = arith.addi %scan3A_322, %scan3A_323 : i32
    %scan3A_325 = arith.constant 1 : i32
    scf.for %scan3A_345 = %scan3A_322 to %scan3A_324 step %scan3A_325  : i32 {
      %get3A = arith.index_cast %scan3A_321 : i32 to index
      %get3A_346 = arith.index_cast %scan3A_345 : i32 to index
      %get3A_347 = arith.constant 0 : index
      %get3A_348 = tpu.vector_load %arg8[%get3A, %get3A_346, %get3A_347] {strides = array<i32>} : memref<8x128x32xf32, #tpu.memory_space<vmem>>, vector<1x1x16xf32>,
      %get3A_349 = vector.shape_cast %get3A_348 : vector<1x1x16xf32> to vector<16xf32>
      %mul3A_350 = arith.constant 128 : i32
      %mul3A_351 = arith.muli %scan3A_321, %mul3A_350 : i32
      %add3A_352 = arith.addi %mul3A_351, %scan3A_345 : i32
      %get3A_353 = arith.index_cast %add3A_352 : i32 to index
      %get3A_354 = arith.constant 0 : index
      %get3A_355 = tpu.vector_load %arg9[%get3A_353, %get3A_354] {strides = array<i32>} : memref<1024x32xf32, #tpu.memory_space<vmem>>, vector<1x16xf32>,
      %get3A_356 = vector.shape_cast %get3A_355 : vector<1x16xf32> to vector<16xf32>
      %sub3A_357 = arith.subf %get3A_349, %get3A_356 : vector<16xf32>
      %get3A_358 = arith.index_cast %scan3A_321 : i32 to index
      %get3A_359 = arith.index_cast %scan3A_345 : i32 to index
      %get3A_360 = arith.constant 16 : index
      %get3A_361 = tpu.vector_load %arg8[%get3A_358, %get3A_359, %get3A_360] {strides = array<i32>} : memref<8x128x32xf32, #tpu.memory_space<vmem>>, vector<1x1x16xf32>,
      %get3A_362 = vector.shape_cast %get3A_361 : vector<1x1x16xf32> to vector<16xf32>
      %mul3A_363 = arith.constant 128 : i32
      %mul3A_364 = arith.muli %scan3A_321, %mul3A_363 : i32
      %add3A_365 = arith.addi %mul3A_364, %scan3A_345 : i32
      %get3A_366 = arith.index_cast %add3A_365 : i32 to index
      %get3A_367 = arith.constant 16 : index
      %get3A_368 = tpu.vector_load %arg9[%get3A_366, %get3A_367] {strides = array<i32>} : memref<1024x32xf32, #tpu.memory_space<vmem>>, vector<1x16xf32>,
      %get3A_369 = vector.shape_cast %get3A_368 : vector<1x16xf32> to vector<16xf32>
      %sub3A_370 = arith.subf %get3A_362, %get3A_369 : vector<16xf32>
      %get3A_371 = arith.constant 0 : index
      %get3A_372 = tpu.vector_load %arg10[%get3A_371] {strides = array<i32>} : memref<16xf32, #tpu.memory_space<vmem>>, vector<16xf32>,
      %get3A_373 = vector.shape_cast %get3A_372 : vector<16xf32> to vector<16xf32>
      %mul3A_374 = arith.mulf %sub3A_357, %sub3A_357 : vector<16xf32>
      %add3A_375 = arith.addf %get3A_373, %mul3A_374 : vector<16xf32>
      %mul3A_376 = arith.mulf %sub3A_370, %sub3A_370 : vector<16xf32>
      %add3A_377 = arith.addf %add3A_375, %mul3A_376 : vector<16xf32>
      %swap3A_378 = arith.constant 0 : index
      %swap3A_379 = tpu.vector_load %arg10[%swap3A_378] {strides = array<i32>} : memref<16xf32, #tpu.memory_space<vmem>>, vector<16xf32>,
      %swap3A_380 = vector.shape_cast %swap3A_379 : vector<16xf32> to vector<16xf32>
      %swap3A_381 = vector.shape_cast %add3A_377 : vector<16xf32> to vector<16xf32>
      tpu.vector_store %arg10[%swap3A_378], %swap3A_381 {strides = array<i32>} : memref<16xf32, #tpu.memory_space<vmem>>, vector<16xf32>,
    }
    %scan3A_326 = arith.constant 128 : i32
    %scan3A_327 = arith.constant 5 : i32
    %scan3A_328 = arith.constant 0 : i32
    %scan3A_329 = arith.constant 128 : i32
    %scan3A_330 = arith.addi %scan3A_328, %scan3A_329 : i32
    %scan3A_331 = arith.constant 1 : i32
    scf.for %scan3A_345 = %scan3A_328 to %scan3A_330 step %scan3A_331  : i32 {
      %get3A = arith.index_cast %scan3A_327 : i32 to index
      %get3A_346 = arith.index_cast %scan3A_345 : i32 to index
      %get3A_347 = arith.constant 0 : index
      %get3A_348 = tpu.vector_load %arg8[%get3A, %get3A_346, %get3A_347] {strides = array<i32>} : memref<8x128x32xf32, #tpu.memory_space<vmem>>, vector<1x1x16xf32>,
      %get3A_349 = vector.shape_cast %get3A_348 : vector<1x1x16xf32> to vector<16xf32>
      %mul3A_350 = arith.constant 128 : i32
      %mul3A_351 = arith.muli %scan3A_327, %mul3A_350 : i32
      %add3A_352 = arith.addi %mul3A_351, %scan3A_345 : i32
      %get3A_353 = arith.index_cast %add3A_352 : i32 to index
      %get3A_354 = arith.constant 0 : index
      %get3A_355 = tpu.vector_load %arg9[%get3A_353, %get3A_354] {strides = array<i32>} : memref<1024x32xf32, #tpu.memory_space<vmem>>, vector<1x16xf32>,
      %get3A_356 = vector.shape_cast %get3A_355 : vector<1x16xf32> to vector<16xf32>
      %sub3A_357 = arith.subf %get3A_349, %get3A_356 : vector<16xf32>
      %get3A_358 = arith.index_cast %scan3A_327 : i32 to index
      %get3A_359 = arith.index_cast %scan3A_345 : i32 to index
      %get3A_360 = arith.constant 16 : index
      %get3A_361 = tpu.vector_load %arg8[%get3A_358, %get3A_359, %get3A_360] {strides = array<i32>} : memref<8x128x32xf32, #tpu.memory_space<vmem>>, vector<1x1x16xf32>,
      %get3A_362 = vector.shape_cast %get3A_361 : vector<1x1x16xf32> to vector<16xf32>
      %mul3A_363 = arith.constant 128 : i32
      %mul3A_364 = arith.muli %scan3A_327, %mul3A_363 : i32
      %add3A_365 = arith.addi %mul3A_364, %scan3A_345 : i32
      %get3A_366 = arith.index_cast %add3A_365 : i32 to index
      %get3A_367 = arith.constant 16 : index
      %get3A_368 = tpu.vector_load %arg9[%get3A_366, %get3A_367] {strides = array<i32>} : memref<1024x32xf32, #tpu.memory_space<vmem>>, vector<1x16xf32>,
      %get3A_369 = vector.shape_cast %get3A_368 : vector<1x16xf32> to vector<16xf32>
      %sub3A_370 = arith.subf %get3A_362, %get3A_369 : vector<16xf32>
      %get3A_371 = arith.constant 0 : index
      %get3A_372 = tpu.vector_load %arg10[%get3A_371] {strides = array<i32>} : memref<16xf32, #tpu.memory_space<vmem>>, vector<16xf32>,
      %get3A_373 = vector.shape_cast %get3A_372 : vector<16xf32> to vector<16xf32>
      %mul3A_374 = arith.mulf %sub3A_357, %sub3A_357 : vector<16xf32>
      %add3A_375 = arith.addf %get3A_373, %mul3A_374 : vector<16xf32>
      %mul3A_376 = arith.mulf %sub3A_370, %sub3A_370 : vector<16xf32>
      %add3A_377 = arith.addf %add3A_375, %mul3A_376 : vector<16xf32>
      %swap3A_378 = arith.constant 0 : index
      %swap3A_379 = tpu.vector_load %arg10[%swap3A_378] {strides = array<i32>} : memref<16xf32, #tpu.memory_space<vmem>>, vector<16xf32>,
      %swap3A_380 = vector.shape_cast %swap3A_379 : vector<16xf32> to vector<16xf32>
      %swap3A_381 = vector.shape_cast %add3A_377 : vector<16xf32> to vector<16xf32>
      tpu.vector_store %arg10[%swap3A_378], %swap3A_381 {strides = array<i32>} : memref<16xf32, #tpu.memory_space<vmem>>, vector<16xf32>,
    }
    %scan3A_332 = arith.constant 128 : i32
    %scan3A_333 = arith.constant 6 : i32
    %scan3A_334 = arith.constant 0 : i32
    %scan3A_335 = arith.constant 128 : i32
    %scan3A_336 = arith.addi %scan3A_334, %scan3A_335 : i32
    %scan3A_337 = arith.constant 1 : i32
    scf.for %scan3A_345 = %scan3A_334 to %scan3A_336 step %scan3A_337  : i32 {
      %get3A = arith.index_cast %scan3A_333 : i32 to index
      %get3A_346 = arith.index_cast %scan3A_345 : i32 to index
      %get3A_347 = arith.constant 0 : index
      %get3A_348 = tpu.vector_load %arg8[%get3A, %get3A_346, %get3A_347] {strides = array<i32>} : memref<8x128x32xf32, #tpu.memory_space<vmem>>, vector<1x1x16xf32>,
      %get3A_349 = vector.shape_cast %get3A_348 : vector<1x1x16xf32> to vector<16xf32>
      %mul3A_350 = arith.constant 128 : i32
      %mul3A_351 = arith.muli %scan3A_333, %mul3A_350 : i32
      %add3A_352 = arith.addi %mul3A_351, %scan3A_345 : i32
      %get3A_353 = arith.index_cast %add3A_352 : i32 to index
      %get3A_354 = arith.constant 0 : index
      %get3A_355 = tpu.vector_load %arg9[%get3A_353, %get3A_354] {strides = array<i32>} : memref<1024x32xf32, #tpu.memory_space<vmem>>, vector<1x16xf32>,
      %get3A_356 = vector.shape_cast %get3A_355 : vector<1x16xf32> to vector<16xf32>
      %sub3A_357 = arith.subf %get3A_349, %get3A_356 : vector<16xf32>
      %get3A_358 = arith.index_cast %scan3A_333 : i32 to index
      %get3A_359 = arith.index_cast %scan3A_345 : i32 to index
      %get3A_360 = arith.constant 16 : index
      %get3A_361 = tpu.vector_load %arg8[%get3A_358, %get3A_359, %get3A_360] {strides = array<i32>} : memref<8x128x32xf32, #tpu.memory_space<vmem>>, vector<1x1x16xf32>,
      %get3A_362 = vector.shape_cast %get3A_361 : vector<1x1x16xf32> to vector<16xf32>
      %mul3A_363 = arith.constant 128 : i32
      %mul3A_364 = arith.muli %scan3A_333, %mul3A_363 : i32
      %add3A_365 = arith.addi %mul3A_364, %scan3A_345 : i32
      %get3A_366 = arith.index_cast %add3A_365 : i32 to index
      %get3A_367 = arith.constant 16 : index
      %get3A_368 = tpu.vector_load %arg9[%get3A_366, %get3A_367] {strides = array<i32>} : memref<1024x32xf32, #tpu.memory_space<vmem>>, vector<1x16xf32>,
      %get3A_369 = vector.shape_cast %get3A_368 : vector<1x16xf32> to vector<16xf32>
      %sub3A_370 = arith.subf %get3A_362, %get3A_369 : vector<16xf32>
      %get3A_371 = arith.constant 0 : index
      %get3A_372 = tpu.vector_load %arg10[%get3A_371] {strides = array<i32>} : memref<16xf32, #tpu.memory_space<vmem>>, vector<16xf32>,
      %get3A_373 = vector.shape_cast %get3A_372 : vector<16xf32> to vector<16xf32>
      %mul3A_374 = arith.mulf %sub3A_357, %sub3A_357 : vector<16xf32>
      %add3A_375 = arith.addf %get3A_373, %mul3A_374 : vector<16xf32>
      %mul3A_376 = arith.mulf %sub3A_370, %sub3A_370 : vector<16xf32>
      %add3A_377 = arith.addf %add3A_375, %mul3A_376 : vector<16xf32>
      %swap3A_378 = arith.constant 0 : index
      %swap3A_379 = tpu.vector_load %arg10[%swap3A_378] {strides = array<i32>} : memref<16xf32, #tpu.memory_space<vmem>>, vector<16xf32>,
      %swap3A_380 = vector.shape_cast %swap3A_379 : vector<16xf32> to vector<16xf32>
      %swap3A_381 = vector.shape_cast %add3A_377 : vector<16xf32> to vector<16xf32>
      tpu.vector_store %arg10[%swap3A_378], %swap3A_381 {strides = array<i32>} : memref<16xf32, #tpu.memory_space<vmem>>, vector<16xf32>,
    }
    %scan3A_338 = arith.constant 128 : i32
    %scan3A_339 = arith.constant 7 : i32
    %scan3A_340 = arith.constant 0 : i32
    %scan3A_341 = arith.constant 128 : i32
    %scan3A_342 = arith.addi %scan3A_340, %scan3A_341 : i32
    %scan3A_343 = arith.constant 1 : i32
    scf.for %scan3A_345 = %scan3A_340 to %scan3A_342 step %scan3A_343  : i32 {
      %get3A = arith.index_cast %scan3A_339 : i32 to index
      %get3A_346 = arith.index_cast %scan3A_345 : i32 to index
      %get3A_347 = arith.constant 0 : index
      %get3A_348 = tpu.vector_load %arg8[%get3A, %get3A_346, %get3A_347] {strides = array<i32>} : memref<8x128x32xf32, #tpu.memory_space<vmem>>, vector<1x1x16xf32>,
      %get3A_349 = vector.shape_cast %get3A_348 : vector<1x1x16xf32> to vector<16xf32>
      %mul3A_350 = arith.constant 128 : i32
      %mul3A_351 = arith.muli %scan3A_339, %mul3A_350 : i32
      %add3A_352 = arith.addi %mul3A_351, %scan3A_345 : i32
      %get3A_353 = arith.index_cast %add3A_352 : i32 to index
      %get3A_354 = arith.constant 0 : index
      %get3A_355 = tpu.vector_load %arg9[%get3A_353, %get3A_354] {strides = array<i32>} : memref<1024x32xf32, #tpu.memory_space<vmem>>, vector<1x16xf32>,
      %get3A_356 = vector.shape_cast %get3A_355 : vector<1x16xf32> to vector<16xf32>
      %sub3A_357 = arith.subf %get3A_349, %get3A_356 : vector<16xf32>
      %get3A_358 = arith.index_cast %scan3A_339 : i32 to index
      %get3A_359 = arith.index_cast %scan3A_345 : i32 to index
      %get3A_360 = arith.constant 16 : index
      %get3A_361 = tpu.vector_load %arg8[%get3A_358, %get3A_359, %get3A_360] {strides = array<i32>} : memref<8x128x32xf32, #tpu.memory_space<vmem>>, vector<1x1x16xf32>,
      %get3A_362 = vector.shape_cast %get3A_361 : vector<1x1x16xf32> to vector<16xf32>
      %mul3A_363 = arith.constant 128 : i32
      %mul3A_364 = arith.muli %scan3A_339, %mul3A_363 : i32
      %add3A_365 = arith.addi %mul3A_364, %scan3A_345 : i32
      %get3A_366 = arith.index_cast %add3A_365 : i32 to index
      %get3A_367 = arith.constant 16 : index
      %get3A_368 = tpu.vector_load %arg9[%get3A_366, %get3A_367] {strides = array<i32>} : memref<1024x32xf32, #tpu.memory_space<vmem>>, vector<1x16xf32>,
      %get3A_369 = vector.shape_cast %get3A_368 : vector<1x16xf32> to vector<16xf32>
      %sub3A_370 = arith.subf %get3A_362, %get3A_369 : vector<16xf32>
      %get3A_371 = arith.constant 0 : index
      %get3A_372 = tpu.vector_load %arg10[%get3A_371] {strides = array<i32>} : memref<16xf32, #tpu.memory_space<vmem>>, vector<16xf32>,
      %get3A_373 = vector.shape_cast %get3A_372 : vector<16xf32> to vector<16xf32>
      %mul3A_374 = arith.mulf %sub3A_357, %sub3A_357 : vector<16xf32>
      %add3A_375 = arith.addf %get3A_373, %mul3A_374 : vector<16xf32>
      %mul3A_376 = arith.mulf %sub3A_370, %sub3A_370 : vector<16xf32>
      %add3A_377 = arith.addf %add3A_375, %mul3A_376 : vector<16xf32>
      %swap3A_378 = arith.constant 0 : index
      %swap3A_379 = tpu.vector_load %arg10[%swap3A_378] {strides = array<i32>} : memref<16xf32, #tpu.memory_space<vmem>>, vector<16xf32>,
      %swap3A_380 = vector.shape_cast %swap3A_379 : vector<16xf32> to vector<16xf32>
      %swap3A_381 = vector.shape_cast %add3A_377 : vector<16xf32> to vector<16xf32>
      tpu.vector_store %arg10[%swap3A_378], %swap3A_381 {strides = array<i32>} : memref<16xf32, #tpu.memory_space<vmem>>, vector<16xf32>,
    }
    %scan3A_344 = arith.constant 128 : i32
    "tpu.region"() ({
      %run_scoped3A_345 = tpu.sem_alloc : memref<!tpu.dma_semaphore, #tpu.memory_space<semaphore_mem>>
      %dma_start3A_346 = arith.constant 0 : i32
      %dma_start3A_347 = tpu.memref_slice %arg6[%add3A, %dma_start3A_346] : memref<32x16xf32, #tpu.memory_space<hbm>> -> memref<1x16xf32, #tpu.memory_space<hbm>>
      %dma_start3A_348 = tpu.memref_squeeze %dma_start3A_347 : memref<1x16xf32, #tpu.memory_space<hbm>> -> memref<16xf32, #tpu.memory_space<hbm>>
      %dma_start3A_349 = arith.constant 0 : i32
      %dma_start3A_350 = tpu.memref_slice %arg6[%add3A, %dma_start3A_349] : memref<32x16xf32, #tpu.memory_space<hbm>> -> memref<1x16xf32, #tpu.memory_space<hbm>>
      %dma_start3A_351 = tpu.memref_squeeze %dma_start3A_350 : memref<1x16xf32, #tpu.memory_space<hbm>> -> memref<16xf32, #tpu.memory_space<hbm>>
      tpu.enqueue_dma source(%arg10 : memref<16xf32, #tpu.memory_space<vmem>>) target(%dma_start3A_351 : memref<16xf32, #tpu.memory_space<hbm>>) target_semaphore(%run_scoped3A_345 : memref<!tpu.dma_semaphore, #tpu.memory_space<semaphore_mem>>)
      %dma_wait3A_352 = arith.constant 0 : i32
      %dma_wait3A_353 = tpu.memref_slice %arg6[%add3A, %dma_wait3A_352] : memref<32x16xf32, #tpu.memory_space<hbm>> -> memref<1x16xf32, #tpu.memory_space<hbm>>
      %dma_wait3A_354 = tpu.memref_squeeze %dma_wait3A_353 : memref<1x16xf32, #tpu.memory_space<hbm>> -> memref<16xf32, #tpu.memory_space<hbm>>
      %dma_wait3A_355 = arith.constant 0 : i32
      %dma_wait3A_356 = tpu.memref_slice %arg6[%add3A, %dma_wait3A_355] : memref<32x16xf32, #tpu.memory_space<hbm>> -> memref<1x16xf32, #tpu.memory_space<hbm>>
      %dma_wait3A_357 = tpu.memref_squeeze %dma_wait3A_356 : memref<1x16xf32, #tpu.memory_space<hbm>> -> memref<16xf32, #tpu.memory_space<hbm>>
      tpu.wait_dma2 semaphore(%run_scoped3A_345 : memref<!tpu.dma_semaphore, #tpu.memory_space<semaphore_mem>>) src(%arg10 : memref<16xf32, #tpu.memory_space<vmem>>) dst(%dma_wait3A_357 : memref<16xf32, #tpu.memory_space<hbm>>)
      tpu.yield
    }) : () -> ()
    return
  }
}

module attributes {stable_mosaic.version = 14 : i64} {
  func.func @_vq_block(%arg0: i32, %arg1: memref<512x64xf32, #tpu.memory_space<vmem>>, %arg2: memref<8192x32xf32, #tpu.memory_space<vmem>>, %arg3: memref<2x1x4x128xi32, #tpu.memory_space<vmem>>, %arg4: memref<32x8192xf32, #tpu.memory_space<vmem>>, %arg5: memref<1x8192xf32, #tpu.memory_space<vmem>>) attributes {dimension_semantics = [#tpu.dimension_semantics<arbitrary>], iteration_bounds = array<i64: 32>, scalar_prefetch = 0 : i64, scratch_operands = 2 : i64, tpu.core_type = #tpu.core_type<tc>, window_params = [{transform_indices = @transform_0, window_bounds = array<i64: 512, 64>}, {pipeline_mode = #tpu.pipeline_mode<synchronous>, transform_indices = @transform_1, window_bounds = array<i64: 8192, 32>}, {transform_indices = @transform_2, window_bounds = array<i64: 2, 1, 4, 128>}]} {
    %eq3A = arith.constant 0 : i32
    %eq3A_0 = arith.cmpi eq, %arg0, %eq3A : i32
    %convert_element_type3A = arith.extui %eq3A_0 : i1 to i32
    %cond3A = arith.constant 0 : i32
    %cond3A_1 = arith.cmpi ne, %convert_element_type3A, %cond3A : i32
    scf.if %cond3A_1 {
      %get3A_84 = arith.constant 0 : index
      %get3A_85 = arith.constant 0 : index
      %get3A_86 = vector.load %arg2[%get3A_84, %get3A_85] : memref<8192x32xf32, #tpu.memory_space<vmem>>, vector<8192x32xf32>
      %mul3A = arith.constant -2.000000e+00 : f32
      %mul3A_87 = vector.broadcast %mul3A : f32 to vector<8192x32xf32>
      %mul3A_88 = arith.mulf %mul3A_87, %get3A_86 : vector<8192x32xf32>
      %transpose3A = tpu.transpose %mul3A_88, [1, 0] : vector<8192x32xf32> -> vector<32x8192xf32>
      %swap3A_89 = arith.constant 0 : index
      %swap3A_90 = arith.constant 0 : index
      %swap3A_91 = vector.load %arg4[%swap3A_89, %swap3A_90] : memref<32x8192xf32, #tpu.memory_space<vmem>>, vector<32x8192xf32>
      tpu.vector_store %arg4[%swap3A_89, %swap3A_90], %transpose3A {strides = array<i32>} : memref<32x8192xf32, #tpu.memory_space<vmem>>, vector<32x8192xf32>,
      %mul3A_92 = arith.mulf %get3A_86, %get3A_86 : vector<8192x32xf32>
      %reduce_sum3A = arith.constant dense<0.000000e+00> : vector<8192xf32>
      %reduce_sum3A_93 = vector.multi_reduction <add>, %mul3A_92, %reduce_sum3A [1] : vector<8192x32xf32> to vector<8192xf32>
      %broadcast_in_dim3A = vector.shape_cast %reduce_sum3A_93 : vector<8192xf32> to vector<1x8192xf32>
      %swap3A_94 = arith.constant 0 : index
      %swap3A_95 = arith.constant 0 : index
      %swap3A_96 = vector.load %arg5[%swap3A_94, %swap3A_95] : memref<1x8192xf32, #tpu.memory_space<vmem>>, vector<1x8192xf32>
      tpu.vector_store %arg5[%swap3A_94, %swap3A_95], %broadcast_in_dim3A {strides = array<i32>} : memref<1x8192xf32, #tpu.memory_space<vmem>>, vector<1x8192xf32>,
    } else {
    }
    %get3A = arith.constant 0 : index
    %get3A_2 = arith.constant 0 : index
    %get3A_3 = vector.load %arg1[%get3A, %get3A_2] : memref<512x64xf32, #tpu.memory_space<vmem>>, vector<512x64xf32>
    %get3A_4 = arith.constant 0 : index
    %get3A_5 = arith.constant 0 : index
    %get3A_6 = vector.load %arg5[%get3A_4, %get3A_5] : memref<1x8192xf32, #tpu.memory_space<vmem>>, vector<1x8192xf32>
    %slice3A = vector.extract_strided_slice %get3A_3 {offsets = [0, 0], sizes = [512, 32], strides = [1, 1]} : vector<512x64xf32> to vector<512x32xf32>
    %get3A_7 = arith.constant 0 : index
    %get3A_8 = arith.constant 0 : index
    %get3A_9 = vector.load %arg4[%get3A_7, %get3A_8] : memref<32x8192xf32, #tpu.memory_space<vmem>>, vector<32x8192xf32>
    %dot_general3A = arith.constant dense<0.000000e+00> : vector<512x8192xf32>
    %dot_general3A_10 = tpu.matmul %slice3A, %get3A_9, %dot_general3A {dimension_numbers = #tpu.dot_dimension_numbers<[1], [0], [0], [1], [0, 0, 1, 1], [], []>, transpose_lhs_hint = false} : vector<512x32xf32>, vector<32x8192xf32>, vector<512x8192xf32> -> vector<512x8192xf32>
    %add3A = vector.broadcast %get3A_6 : vector<1x8192xf32> to vector<512x8192xf32>
    %add3A_11 = arith.addf %dot_general3A_10, %add3A : vector<512x8192xf32>
    %argmin3A = tpu.reduce_index %add3A_11 {axis = 1 : i32, kind = #tpu.reduction_kind<arg_min>} : vector<512x8192xf32> -> vector<512xi32>
    %slice3A_12 = vector.extract_strided_slice %argmin3A {offsets = [0], sizes = [128], strides = [1]} : vector<512xi32> to vector<128xi32>
    %swap3A = arith.constant 0 : index
    %swap3A_13 = arith.constant 0 : index
    %swap3A_14 = arith.constant 0 : index
    %swap3A_15 = arith.constant 0 : index
    %swap3A_16 = vector.load %arg3[%swap3A, %swap3A_13, %swap3A_14, %swap3A_15] : memref<2x1x4x128xi32, #tpu.memory_space<vmem>>, vector<1x1x1x128xi32>
    %swap3A_17 = vector.shape_cast %swap3A_16 : vector<1x1x1x128xi32> to vector<128xi32>
    %swap3A_18 = vector.shape_cast %slice3A_12 : vector<128xi32> to vector<1x1x1x128xi32>
    tpu.vector_store %arg3[%swap3A, %swap3A_13, %swap3A_14, %swap3A_15], %swap3A_18 {strides = array<i32>} : memref<2x1x4x128xi32, #tpu.memory_space<vmem>>, vector<1x1x1x128xi32>,
    %slice3A_19 = vector.extract_strided_slice %argmin3A {offsets = [128], sizes = [128], strides = [1]} : vector<512xi32> to vector<128xi32>
    %swap3A_20 = arith.constant 0 : index
    %swap3A_21 = arith.constant 0 : index
    %swap3A_22 = arith.constant 1 : index
    %swap3A_23 = arith.constant 0 : index
    %swap3A_24 = vector.load %arg3[%swap3A_20, %swap3A_21, %swap3A_22, %swap3A_23] : memref<2x1x4x128xi32, #tpu.memory_space<vmem>>, vector<1x1x1x128xi32>
    %swap3A_25 = vector.shape_cast %swap3A_24 : vector<1x1x1x128xi32> to vector<128xi32>
    %swap3A_26 = vector.shape_cast %slice3A_19 : vector<128xi32> to vector<1x1x1x128xi32>
    tpu.vector_store %arg3[%swap3A_20, %swap3A_21, %swap3A_22, %swap3A_23], %swap3A_26 {strides = array<i32>} : memref<2x1x4x128xi32, #tpu.memory_space<vmem>>, vector<1x1x1x128xi32>,
    %slice3A_27 = vector.extract_strided_slice %argmin3A {offsets = [256], sizes = [128], strides = [1]} : vector<512xi32> to vector<128xi32>
    %swap3A_28 = arith.constant 0 : index
    %swap3A_29 = arith.constant 0 : index
    %swap3A_30 = arith.constant 2 : index
    %swap3A_31 = arith.constant 0 : index
    %swap3A_32 = vector.load %arg3[%swap3A_28, %swap3A_29, %swap3A_30, %swap3A_31] : memref<2x1x4x128xi32, #tpu.memory_space<vmem>>, vector<1x1x1x128xi32>
    %swap3A_33 = vector.shape_cast %swap3A_32 : vector<1x1x1x128xi32> to vector<128xi32>
    %swap3A_34 = vector.shape_cast %slice3A_27 : vector<128xi32> to vector<1x1x1x128xi32>
    tpu.vector_store %arg3[%swap3A_28, %swap3A_29, %swap3A_30, %swap3A_31], %swap3A_34 {strides = array<i32>} : memref<2x1x4x128xi32, #tpu.memory_space<vmem>>, vector<1x1x1x128xi32>,
    %slice3A_35 = vector.extract_strided_slice %argmin3A {offsets = [384], sizes = [128], strides = [1]} : vector<512xi32> to vector<128xi32>
    %swap3A_36 = arith.constant 0 : index
    %swap3A_37 = arith.constant 0 : index
    %swap3A_38 = arith.constant 3 : index
    %swap3A_39 = arith.constant 0 : index
    %swap3A_40 = vector.load %arg3[%swap3A_36, %swap3A_37, %swap3A_38, %swap3A_39] : memref<2x1x4x128xi32, #tpu.memory_space<vmem>>, vector<1x1x1x128xi32>
    %swap3A_41 = vector.shape_cast %swap3A_40 : vector<1x1x1x128xi32> to vector<128xi32>
    %swap3A_42 = vector.shape_cast %slice3A_35 : vector<128xi32> to vector<1x1x1x128xi32>
    tpu.vector_store %arg3[%swap3A_36, %swap3A_37, %swap3A_38, %swap3A_39], %swap3A_42 {strides = array<i32>} : memref<2x1x4x128xi32, #tpu.memory_space<vmem>>, vector<1x1x1x128xi32>,
    %slice3A_43 = vector.extract_strided_slice %get3A_3 {offsets = [0, 32], sizes = [512, 32], strides = [1, 1]} : vector<512x64xf32> to vector<512x32xf32>
    %get3A_44 = arith.constant 0 : index
    %get3A_45 = arith.constant 0 : index
    %get3A_46 = vector.load %arg4[%get3A_44, %get3A_45] : memref<32x8192xf32, #tpu.memory_space<vmem>>, vector<32x8192xf32>
    %dot_general3A_47 = arith.constant dense<0.000000e+00> : vector<512x8192xf32>
    %dot_general3A_48 = tpu.matmul %slice3A_43, %get3A_46, %dot_general3A_47 {dimension_numbers = #tpu.dot_dimension_numbers<[1], [0], [0], [1], [0, 0, 1, 1], [], []>, transpose_lhs_hint = false} : vector<512x32xf32>, vector<32x8192xf32>, vector<512x8192xf32> -> vector<512x8192xf32>
    %add3A_49 = vector.broadcast %get3A_6 : vector<1x8192xf32> to vector<512x8192xf32>
    %add3A_50 = arith.addf %dot_general3A_48, %add3A_49 : vector<512x8192xf32>
    %argmin3A_51 = tpu.reduce_index %add3A_50 {axis = 1 : i32, kind = #tpu.reduction_kind<arg_min>} : vector<512x8192xf32> -> vector<512xi32>
    %slice3A_52 = vector.extract_strided_slice %argmin3A_51 {offsets = [0], sizes = [128], strides = [1]} : vector<512xi32> to vector<128xi32>
    %swap3A_53 = arith.constant 1 : index
    %swap3A_54 = arith.constant 0 : index
    %swap3A_55 = arith.constant 0 : index
    %swap3A_56 = arith.constant 0 : index
    %swap3A_57 = vector.load %arg3[%swap3A_53, %swap3A_54, %swap3A_55, %swap3A_56] : memref<2x1x4x128xi32, #tpu.memory_space<vmem>>, vector<1x1x1x128xi32>
    %swap3A_58 = vector.shape_cast %swap3A_57 : vector<1x1x1x128xi32> to vector<128xi32>
    %swap3A_59 = vector.shape_cast %slice3A_52 : vector<128xi32> to vector<1x1x1x128xi32>
    tpu.vector_store %arg3[%swap3A_53, %swap3A_54, %swap3A_55, %swap3A_56], %swap3A_59 {strides = array<i32>} : memref<2x1x4x128xi32, #tpu.memory_space<vmem>>, vector<1x1x1x128xi32>,
    %slice3A_60 = vector.extract_strided_slice %argmin3A_51 {offsets = [128], sizes = [128], strides = [1]} : vector<512xi32> to vector<128xi32>
    %swap3A_61 = arith.constant 1 : index
    %swap3A_62 = arith.constant 0 : index
    %swap3A_63 = arith.constant 1 : index
    %swap3A_64 = arith.constant 0 : index
    %swap3A_65 = vector.load %arg3[%swap3A_61, %swap3A_62, %swap3A_63, %swap3A_64] : memref<2x1x4x128xi32, #tpu.memory_space<vmem>>, vector<1x1x1x128xi32>
    %swap3A_66 = vector.shape_cast %swap3A_65 : vector<1x1x1x128xi32> to vector<128xi32>
    %swap3A_67 = vector.shape_cast %slice3A_60 : vector<128xi32> to vector<1x1x1x128xi32>
    tpu.vector_store %arg3[%swap3A_61, %swap3A_62, %swap3A_63, %swap3A_64], %swap3A_67 {strides = array<i32>} : memref<2x1x4x128xi32, #tpu.memory_space<vmem>>, vector<1x1x1x128xi32>,
    %slice3A_68 = vector.extract_strided_slice %argmin3A_51 {offsets = [256], sizes = [128], strides = [1]} : vector<512xi32> to vector<128xi32>
    %swap3A_69 = arith.constant 1 : index
    %swap3A_70 = arith.constant 0 : index
    %swap3A_71 = arith.constant 2 : index
    %swap3A_72 = arith.constant 0 : index
    %swap3A_73 = vector.load %arg3[%swap3A_69, %swap3A_70, %swap3A_71, %swap3A_72] : memref<2x1x4x128xi32, #tpu.memory_space<vmem>>, vector<1x1x1x128xi32>
    %swap3A_74 = vector.shape_cast %swap3A_73 : vector<1x1x1x128xi32> to vector<128xi32>
    %swap3A_75 = vector.shape_cast %slice3A_68 : vector<128xi32> to vector<1x1x1x128xi32>
    tpu.vector_store %arg3[%swap3A_69, %swap3A_70, %swap3A_71, %swap3A_72], %swap3A_75 {strides = array<i32>} : memref<2x1x4x128xi32, #tpu.memory_space<vmem>>, vector<1x1x1x128xi32>,
    %slice3A_76 = vector.extract_strided_slice %argmin3A_51 {offsets = [384], sizes = [128], strides = [1]} : vector<512xi32> to vector<128xi32>
    %swap3A_77 = arith.constant 1 : index
    %swap3A_78 = arith.constant 0 : index
    %swap3A_79 = arith.constant 3 : index
    %swap3A_80 = arith.constant 0 : index
    %swap3A_81 = vector.load %arg3[%swap3A_77, %swap3A_78, %swap3A_79, %swap3A_80] : memref<2x1x4x128xi32, #tpu.memory_space<vmem>>, vector<1x1x1x128xi32>
    %swap3A_82 = vector.shape_cast %swap3A_81 : vector<1x1x1x128xi32> to vector<128xi32>
    %swap3A_83 = vector.shape_cast %slice3A_76 : vector<128xi32> to vector<1x1x1x128xi32>
    tpu.vector_store %arg3[%swap3A_77, %swap3A_78, %swap3A_79, %swap3A_80], %swap3A_83 {strides = array<i32>} : memref<2x1x4x128xi32, #tpu.memory_space<vmem>>, vector<1x1x1x128xi32>,
    return
  }
  func.func @transform_0(%arg0: i32) -> (i32, i32) {
    %c0_i32 = arith.constant 0 : i32
    %c0_i32_0 = arith.constant 0 : i32
    return %arg0, %c0_i32 : i32, i32
  }
  func.func @transform_1(%arg0: i32) -> (i32, i32) {
    %c0_i32 = arith.constant 0 : i32
    %c0_i32_0 = arith.constant 0 : i32
    %c0_i32_1 = arith.constant 0 : i32
    return %c0_i32, %c0_i32_0 : i32, i32
  }
  func.func @transform_2(%arg0: i32) -> (i32, i32, i32, i32) {
    %c0_i32 = arith.constant 0 : i32
    %c0_i32_0 = arith.constant 0 : i32
    %c0_i32_1 = arith.constant 0 : i32
    %c0_i32_2 = arith.constant 0 : i32
    return %c0_i32, %arg0, %c0_i32_0, %c0_i32_1 : i32, i32, i32, i32
  }
}

</mosaic_0001>

<sc_bundles>
// kernel: kernel.4.cloned.1.call-start
scs
__scs_entry_jumppad:
0x0: {  	(pc) =	sbr.rel $0x88, $3  }
0x1: {  	(tag) =	ssettag $0x0;
	lr =	simm.s32 $0x1  }
0x2: {  	[smem:$0x3F9F] =	sst lr;
	_ =	strace $0xD0000000  }
0x3: {  	_ = 	snop  }
0x4: {  	_ = 	snop  }
0x5: {  	_ = 	snop  }
0x6: {  	_ = 	snop  }
0x7: {  	_ = 	snop  }
__scs_overlays_trampoline_lowered:
0x8: {  	[smem:$0x3FAE] =	sst s0  }
0x9: {  	[smem:$0x3FAF] =	sst s1  }
0xa: {  	[smem:$0x3FB0] =	sst s2  }
0xb: {  	[smem:$0x3FB1] =	sst s3  }
0xc: {  	[smem:$0x3FB2] =	sst s4  }
0xd: {  	[smem:$0x3FB3] =	sst s5  }
0xe: {  	[smem:$0x3FB4] =	sst s6  }
0xf: {  	[smem:$0x3FB5] =	sst s7  }
0x10: {  	[smem:$0x3FB6] =	sst s8  }
0x11: {  	[smem:$0x3FB7] =	sst s9;
	s0 =	simm.s32 @!p0 $0x0  }
0x12: {  	s1 =	sld [smem:$0x3F9D];
	s0 =	simm.s32 @p0 $0x1  }
0x13: {  	[smem:$0x3FB8] =	sst s0;
	s0 =	simm.s32 @!p1 $0x0  }
0x14: {  	s2 =	sld [smem:$0x3F9C];
	s0 =	simm.s32 @p1 $0x1  }
0x15: {  	[smem:$0x3FB9] =	sst s0;
	s0 =	simm.s32 @!p2 $0x0  }
0x16: {  	s3 =	sld [smem:$0x3FDB];
	s0 =	simm.s32 @p2 $0x1  }
0x17: {  	s4 =	simm.s32 $0x1BF5;
	[smem:$0x3FBB] =	sst s0  }
0x18: {  	s0 =	sld [smem:$0x3F9E];
	_ =	swait.ge [sflag:s4], $0x0  }
0x19: {  	s7 =	sld [smem:$0x3F9F]  }
0x1a: {  	s8 =	sadd.s32 $0xFFFFE003, lr  }
0x1b: {  	s9 =	sadd.s32 $0xFFFFFEF7, lr;
	s5 =	simm.s32 $0xFFFFFFFF;
	p2 =	slt.u32 s8, $0xFFFFF086  }
0x1c: {  	p1 =	slt.u32 s9, $0xF7A;
	s5 =	simm.s32 @!p2 $0x0  }
0x1d: {  	s5 =	simm.s32 @p1 $0x1;
	p0 =	seq.s32 s7, s2  }
0x1e: {  	s7 =	smul.u32 @!p0 $0xF7A, s2;
	p2 =	seq.s32 @!p0 s5, $0x0  }
0x1f: {  	s9 =	smul.u32 $0xF7A, s1;
	s8 =	simm.s32 @!p0 $0x1BF5;
	p2 =	por !p2, p0  }
0x20: {  	[sflag:s8] =	ssyncset.s32 @!p0 $0xFFFFF086;
	s6 =	sadd.s32 @!p0 s3, s7;
	s7 =	simm.s32 @!p0 $0x108  }
0x21: {  	s3 =	sadd.s32 s3, s9;
	s6 =	sadd.s32 @!p0 $0x88, s6;
	s7 =	simm.s32 @p2 $0x1082  }
0x22: {  	[simem:s7], [sflag:s8] =	dma.local @!p0 [hbm:s6], $0xF7A  }
0x23: {  	s9 =	sor.u32 $0xD0000000, s2;
	s6 =	simm.s32 $0x108;
	_ =	swait.ge @!p0 [sflag:s8], $0x0  }
0x24: {  	s3 =	sadd.s32 $0x88, s3;
	s6 =	simm.s32 @!p1 $0x1082;
	[sflag:s4] =	ssyncset.s32 $0xFFFFF086  }
0x25: {  	[simem:s6], [sflag:s4] =	dma.local [hbm:s3], $0xF7A  }
0x26: {  	[smem:$0x3F9F] =	sst s1;
	(tag) =	ssettag s2;
	_ =	strace s9  }
0x27: {  	s1 =	sld [smem:$0x3FAF]  }
0x28: {  	s2 =	sld [smem:$0x3FB0]  }
0x29: {  	s4 =	sld [smem:$0x3FB2]  }
0x2a: {  	p0 =	seq.s32 s5, $0x0;
	s5 =	sld [smem:$0x3FB3]  }
0x2b: {  	s6 =	sld [smem:$0x3FB4]  }
0x2c: {  	s7 =	sld [smem:$0x3FB5]  }
0x2d: {  	s3 =	simm.s32 $0x108;
	s8 =	sld [smem:$0x3FB6]  }
0x2e: {  	s3 =	simm.s32 @!p0 $0x1082;
	s9 =	sld [smem:$0x3FB7]  }
0x2f: {  	lr =	sadd.s32 s0, s3;
	s0 =	sld [smem:$0x3FAE]  }
0x30: {  	s3 =	sld [smem:$0x3FB1]  }
0x31: {  	[smem:$0x3FBA] =	sst s10  }
0x32: {  	s10 =	sld [smem:$0x3FB8];
	_ =	sdelay $0x3  }
0x33: {  	p0 =	seq.s32 s10, $0x1;
	s10 =	sld [smem:$0x3FBA];
	_ =	sdelay $0x3  }
0x34: {  	[smem:$0x3FBA] =	sst s10  }
0x35: {  	s10 =	sld [smem:$0x3FB9];
	_ =	sdelay $0x3  }
0x36: {  	p1 =	seq.s32 s10, $0x1;
	s10 =	sld [smem:$0x3FBA];
	_ =	sdelay $0x3  }
0x37: {  	[smem:$0x3FBA] =	sst s10  }
0x38: {  	s10 =	sld [smem:$0x3FBB]  }
0x39: {  	_ = 	snop;
	(pc) =	sbr.ind lr, $3  }
0x3a: {  	_ = 	snop  }
0x3b: {  	_ = 	snop  }
0x3c: {  	p2 =	seq.s32 s10, $0x1;
	s10 =	sld [smem:$0x3FBA]  }
0x3d: {  	_ =	shalt  }
0x3e: {  	_ =	shalt  }
0x3f: {  	_ =	shalt  }
0x40: {  	_ =	shalt  }
0x41: {  	_ =	shalt  }
0x42: {  	_ =	shalt  }
0x43: {  	_ =	shalt  }
0x44: {  	_ =	shalt  }
0x45: {  	_ =	shalt  }
0x46: {  	_ =	shalt  }
0x47: {  	_ =	shalt  }
0x48: {  	_ =	shalt  }
0x49: {  	_ =	shalt  }
0x4a: {  	_ =	shalt  }
0x4b: {  	_ =	shalt  }
0x4c: {  	_ =	shalt  }
0x4d: {  	_ =	shalt  }
0x4e: {  	_ =	shalt  }
0x4f: {  	_ =	shalt  }
0x50: {  	_ =	shalt  }
0x51: {  	_ =	shalt  }
0x52: {  	_ =	shalt  }
0x53: {  	_ =	shalt  }
0x54: {  	_ =	shalt  }
0x55: {  	_ =	shalt  }
0x56: {  	_ =	shalt  }
0x57: {  	_ =	shalt  }
0x58: {  	_ =	shalt  }
0x59: {  	_ =	shalt  }
0x5a: {  	_ =	shalt  }
0x5b: {  	_ =	shalt  }
0x5c: {  	_ =	shalt  }
0x5d: {  	_ =	shalt  }
0x5e: {  	_ =	shalt  }
0x5f: {  	_ =	shalt  }
0x60: {  	_ =	shalt  }
0x61: {  	_ =	shalt  }
0x62: {  	_ =	shalt  }
0x63: {  	_ =	shalt  }
0x64: {  	_ =	shalt  }
0x65: {  	_ =	shalt  }
0x66: {  	_ =	shalt  }
0x67: {  	_ =	shalt  }
0x68: {  	_ =	shalt  }
0x69: {  	_ =	shalt  }
0x6a: {  	_ =	shalt  }
0x6b: {  	_ =	shalt  }
0x6c: {  	_ =	shalt  }
0x6d: {  	_ =	shalt  }
0x6e: {  	_ =	shalt  }
0x6f: {  	_ =	shalt  }
0x70: {  	_ =	shalt  }
0x71: {  	_ =	shalt  }
0x72: {  	_ =	shalt  }
0x73: {  	_ =	shalt  }
0x74: {  	_ =	shalt  }
0x75: {  	_ =	shalt  }
0x76: {  	_ =	shalt  }
0x77: {  	_ =	shalt  }
0x78: {  	_ =	shalt  }
0x79: {  	_ =	shalt  }
0x7a: {  	_ =	shalt  }
0x7b: {  	_ =	shalt  }
0x7c: {  	_ =	shalt  }
0x7d: {  	_ =	shalt  }
0x7e: {  	_ =	shalt  }
0x7f: {  	_ =	shalt  }
0x80: {  	_ =	shalt  }
0x81: {  	_ =	shalt  }
0x82: {  	_ =	shalt  }
0x83: {  	_ =	shalt  }
0x84: {  	_ =	shalt  }
0x85: {  	_ =	shalt  }
0x86: {  	_ =	shalt  }
0x87: {  	_ =	shalt  }
.Lfunc_end0:
.L_simem_size_0:
called_computation_lowered:
.L_overlay_start_0:
0x88: {  	s2 =	sld [smem:$0x3FD9]  }
0x89: {  	s3 =	sld [smem:$0x3FFE];
	_ =	sdelay $0x1  }
0x8a: {  	s1 =	srdreg.scid  }
0x8b: {  	s0 =	sand.u32 $0x1, s1  }
0x8c: {  	s14 =	sshll.u32 s0, $0xA;
	s2 =	sadd.s32 s3, s2  }
0x8d: {  	s2 =	sadd.s32 s2, s14  }
0x8e: {  	[smem:$0x3FC6] =	sst s2  }
0x8f: {  	_ = 	snop  }
0x90: {  	s2 =	sld [smem:$0x3FD0];
	_ =	sdelay $0x2  }
0x91: {  	s15 =	simm.s32 $0xA;
	s4 =	simm.s32 $0x10  }
0x92: {  	[smem:s4], [sflag:s15] =	dma.local [hbm:s2], $0x1  }
0x93: {  	_ =	swait.eq [sflag:s15], $0x1  }
0x94: {  	[sflag:s15] =	ssyncset.done $0x0  }
0x95: {  	[sflag:s15] =	ssyncadd.s32 $0xFFFFFFFF  }
0x96: {  	s16 =	sld [smem:$0x10];
	(tm) =	ssettm $0x1  }
0x97: {  	s17 =	sld [smem:$0x3FFB];
	_ =	sdelay $0x3  }
0x98: {  	_ =	strace s17  }
0x99: {  	s3 =	sld [smem:$0x3FFC];
	_ =	sdelay $0x3  }
0x9a: {  	_ =	strace s3  }
0x9b: {  	s3 =	sld [smem:$0x3FFD];
	_ =	sdelay $0x3  }
0x9c: {  	_ =	strace s3  }
0x9d: {  	_ =	strace $0x8FFFFFFF  }
0x9e: {  	s18 =	sld [smem:$0x3FDB];
	_ =	sdelay $0x1  }
0x9f: {  	s19 =	simm.s32 $_scs_section_size  }
0xa0: {  	s5 =	simm.s32 $_size__tile_overlayer_lowered;
	s6 =	simm.s32 $_tile_overlayer_lowered  }
0xa1: {  	s22 =	simm.s32 $0x1BFF;
	s21 =	sshll.u32 s6, $0x1;
	s3 =	sadd.s32 s19, s18  }
0xa2: {  	s7 =	simm.s32 $0x0;
	s20 =	sshll.u32 s5, $0x1;
	s5 =	sadd.s32 s21, s3  }
0xa3: {  	[timem:s7], [sflag:s22] =	dma.local [hbm:s5], s20  }
0xa4: {  	_ =	swait.ge [sflag:s22], s20  }
0xa5: {  	s4 =	ssub.s32 $0x0, s20;
	[sflag:s22] =	ssyncset.done $0x0  }
0xa6: {  	[sflag:s22] =	ssyncadd.s32 s4;
	_ =	sdelay $0x1  }
0xa7: {  	s23 =	simm.s32 $0x1B8B  }
0xa8: {  	_ =	swait.ge [sflag:s23], $0x1  }
0xa9: {  	[sflag:s23] =	ssyncset.done $0x0  }
0xaa: {  	s25 =	simm.s32 $0x1B8E;
	s24 =	sld [smem:$0x3FFE];
	[sflag:s23] =	ssyncadd.s32 $0xFFFFFFFF  }
0xab: {  	s26 =	simm.s32 $execute0_lowered;
	[smem:$0x3FD2] =	sst s25  }
0xac: {  	s5 =	sshll.u32 s26, $0x1;
	_ =	strace $0x80000046;
	[dreg:$0x1] =	wrdreg $0xFFFFFFFF  }
0xad: {  	s28 =	simm.s32 $_size_execute0_lowered;
	s3 =	sadd.s32 s3, s5;
	[dreg:$0x0] =	wrdreg $0x0  }
0xae: {  	s5 =	sshll.u32 s28, $0x1;
	[dreg:$0x2] =	wrdreg s3  }
0xaf: {  	[dreg:$0x3] =	wrdreg s5  }
0xb0: {  	[dreg:$0x4] =	wrdreg $0xC0  }
0xb1: {  	_ =	task [dreg:s7], $0x5FFFF  }
0xb2: {  	[dreg:$0x1] =	wrdreg $0xFFFFFFFF  }
0xb3: {  	[dreg:$0x0] =	wrdreg $0x60  }
0xb4: {  	[dreg:$0x2] =	wrdreg s24  }
0xb5: {  	[dreg:$0x3] =	wrdreg s16  }
0xb6: {  	[dreg:$0x4] =	wrdreg $0x104100  }
0xb7: {  	[dreg:$0x5] =	wrdreg $0x9  }
0xb8: {  	_ =	task.clear_ibuf [dreg:s7], $0x6FFFF;
	_ =	strace $0x90000046  }
0xb9: {  	s29 =	simm.s32 $0x9;
	_ =	strace $0x80000048  }
0xba: {  	_ =	swait.ge [sflag:s29], $0x1  }
0xbb: {  	[sflag:s29] =	ssyncadd.s32 $0xFFFFFFFF  }
0xbc: {  	_ =	strace $0x90000048  }
0xbd: {  	_ =	sfence  }
0xbe: {  	s30 =	sld [smem:$0x0];
	_ =	sdelay $0x2  }
0xbf: {  	s31 =	sshll.u32 s1, $0xD;
	s1 =	sshrl.u32 s1, $0x2  }
0xc0: {  	s3 =	sand.u32 $0x4000, s31;
	s1 =	sadd.s32 s1, s30  }
0xc1: {  	s0 =	sor.u32 s3, s0;
	s1 =	sshll.u32 s1, $0x11  }
0xc2: {  	s0 =	sor.u32 s1, s0  }
0xc3: {  	s0 =	sadd.s32 $0x8F2B, s0  }
0xc4: {  	[sflag:s0] =	ssyncadd.remote.s32 $0x1  }
0xc5: {  	_ =	sfence.sel $0xFFFF  }
0xc6: {  	[dreg:$0x0] =	wrdreg $0xFFFFFFFF;
	(pc) =	sbr.abs _section_cstart, $3  }
0xc7: {  	[dreg:$0x1] =	wrdreg $0xFFFFFFFF  }
0xc8: {  	_ =	task.clear_ibuf [dreg:s7], $0x2FFFF;
	_ =	strace $0x9FFFFFFF  }
0xc9: {  	(tm) =	ssettm $0x7FFFFFFF  }
tec
execute0_lowered:
.L_overlay_start_1:
0x0: {  	(tag) =	ssettag $0x1  }
0x1: {  	s0 =	rddreg [dreg:$0x0]  }
0x2: {  	s3 =	rddreg [dreg:$0x1];
	s15 =	stileid.u32  }
0x3: {  	s2 =	srdreg.scid;
	s1 =	rddreg [dreg:$0x2]  }
0x4: {  	s17 =	simm.s32 $0x2;
	s18 =	simm.s32 $0x80;
	s19 =	simm.s32 $0x400  }
0x5: {  	s20 =	simm.s32 $0x1400;
	s22 =	simm.s32 $0x2400;
	s24 =	simm.s32 $0x3400  }
0x6: {  	s29 =	simm.s32 $0x5400;
	s31 =	simm.s32 $0x6400;
	s21 =	simm.s32 $0x7400  }
0x7: {  	s23 =	simm.s32 $0x20;
	s30 =	simm.s32 $0x1;
	s28 =	simm.s32 $0x0  }
0x8: {  	s4 =	sand.u32 $0x1, s2;
	s5 =	sshll.u32 s15, $0x1;
	s2 =	simm.s32 $0x0  }
0x9: {  	s6 =	sshrl.u32 s15, $0x3;
	s10 =	sadd.s32 $0xA00, s0;
	p0 =	sne.s32 s15, $0x0  }
0xa: {  	s5 =	sor.u32 s4, s5;
	[smem:$0x7FF] =	sst s2;
	s8 =	sshll.u32 s6, $0x2  }
0xb: {  	s6 =	sshll.u32 s6, $0xB;
	s4 =	ssub.s32 $0x2, s4;
	s7 =	sand.u32 $0xF, s5  }
0xc: {  	_ =	strace $0x80000047;
	[dreg:$0x4] =	wrdreg s10;
	s6 =	sadd.s32 s6, s0  }
0xd: {  	s5 =	sshll.u32 s5, $0x1;
	s25 =	sshrl.u32 s4, $0x1;
	s9 =	sshll.u32 s7, $0xD  }
0xe: {  	s7 =	sshll.u32 s7, $0x7;
	s16 =	ssub.s32 s4, s25;
	s25 =	simm.s32 $0x40  }
0xf: {  	s8 =	sor.u32 s8, s9;
	s26 =	sadd.s32 s7, s6;
	s15 =	smax.u32 s16, $0x1  }
0x10: {  	s16 =	sshrl.u32 @!p0 s1, $0x3;
	s13 =	sadd.s32 s8, s0;
	s0 =	sadd.s32 s5, s0  }
0x11: {  	s4 =	sadd.s32 $0x8A00, s26;
	s5 =	sadd.s32 s3, s8;
	s26 =	simm.s32 $0x4400  }
0x12: {  	s6 =	sadd.s32 $0x9C00, s13;
	s7 =	sadd.s32 $0xA000, s13;
	s8 =	sadd.s32 $0xA400, s13  }
0x13: {  	s9 =	sadd.s32 $0xA800, s13;
	s10 =	sadd.s32 $0xAC00, s13;
	s11 =	sadd.s32 $0xB000, s13  }
0x14: {  	s12 =	sadd.s32 $0xB400, s13;
	s13 =	sadd.s32 $0xB800, s13;
	s14 =	sadd.s32 $0x9A00, s0  }
.LBB2_1:
0x15: {  	s0 =	simm.s32 @!p0 $0x1C02;
	s3 =	rddreg [dreg:$0x4]  }
0x16: {  	[spmem:s16], [sflag:s0] =	dma.local @!p0 [hbm:s3], $0x8000  }
0x17: {  	s0 =	simm.s32 @!p0 $0x2  }
0x18: {  	_ =	swait.ge @!p0 [sflag:s0], $0x8000  }
0x19: {  	[sflag:s0] =	ssyncset.done @!p0 $0x0  }
0x1a: {  	[sflag:s0] =	ssyncadd.s32 @!p0 $0xFFFF8000  }
0x1b: {  	[tilespmem:s2], [sflag:$0x2] =	stream.linear.gather [hbm4b:s4+s2], $0x400, $0x38;
	[tilespmem:$0x14410] =	vst v63  }
0x1c: {  	_ =	swait.ge [sflag:s17], $0x400  }
0x1d: {  	[sflag:s17] =	ssyncset.done $0x0  }
0x1e: {  	[sflag:s17] =	ssyncadd.s32 $0xFFFFFC00  }
0x1f: {  	[bflag:$0x0] =	sbarrier.arrive $0xFFFF  }
0x20: {  	[tilespmem:s19], [sflag:$0x1] =	stream.indirect.gather [spmem:s1], $0x20, s2, s18, $0xb8;
	[tilespmem:$0x14410] =	vst v63  }
0x21: {  	_ = 	snop  }
0x22: {  	[tilespmem:s20], [sflag:$0x1] =	stream.indirect.gather [spmem:s1], $0x20, s18, s18, $0xb8;
	[tilespmem:$0x14410] =	vst v63  }
0x23: {  	s3 =	simm.s32 $0x100  }
0x24: {  	[tilespmem:s22], [sflag:$0x1] =	stream.indirect.gather [spmem:s1], $0x20, s3, s18, $0xb8;
	[tilespmem:$0x14410] =	vst v63  }
0x25: {  	s3 =	simm.s32 $0x180  }
0x26: {  	[tilespmem:s24], [sflag:$0x1] =	stream.indirect.gather [spmem:s1], $0x20, s3, s18, $0xb8;
	[tilespmem:$0x14410] =	vst v63  }
0x27: {  	s3 =	simm.s32 $0x200  }
0x28: {  	[tilespmem:s26], [sflag:$0x1] =	stream.indirect.gather [spmem:s1], $0x20, s3, s18, $0xb8;
	[tilespmem:$0x14410] =	vst v63  }
0x29: {  	s3 =	simm.s32 $0x280  }
0x2a: {  	[tilespmem:s29], [sflag:$0x1] =	stream.indirect.gather [spmem:s1], $0x20, s3, s18, $0xb8;
	[tilespmem:$0x14410] =	vst v63  }
0x2b: {  	s3 =	simm.s32 $0x300  }
0x2c: {  	[tilespmem:s31], [sflag:$0x1] =	stream.indirect.gather [spmem:s1], $0x20, s3, s18, $0xb8;
	[tilespmem:$0x14410] =	vst v63  }
0x2d: {  	s3 =	simm.s32 $0x380  }
0x2e: {  	[tilespmem:s21], [sflag:$0x1] =	stream.indirect.gather [spmem:s1], $0x20, s3, s18, $0xb8;
	[tilespmem:$0x14410] =	vst v63  }
0x2f: {  	s3 =	simm.s32 $0x8400  }
0x30: {  	[tilespmem:s3], [sflag:$0x2] =	stream.strided.gather [hbm4b:s5+s23], $0x8000, s25, s23, $0x38;
	[tilespmem:$0x14410] =	vst v63  }
0x31: {  	_ =	swait.ge [sflag:s17], $0x8000  }
0x32: {  	[sflag:s17] =	ssyncset.done $0x0  }
0x33: {  	[sflag:s17] =	ssyncadd.s32 $0xFFFF8000  }
0x34: {  	_ =	swait.ge [sflag:s30], $0x1000  }
0x35: {  	[sflag:s30] =	ssyncset.done $0x0  }
0x36: {  	[sflag:s30] =	ssyncadd.s32 $0xFFFFF000  }
0x37: {  	_ =	swait.ge [sflag:s30], $0x1000  }
0x38: {  	[sflag:s30] =	ssyncset.done $0x0  }
0x39: {  	[sflag:s30] =	ssyncadd.s32 $0xFFFFF000  }
0x3a: {  	_ =	swait.ge [sflag:s30], $0x1000  }
0x3b: {  	[sflag:s30] =	ssyncset.done $0x0  }
0x3c: {  	[sflag:s30] =	ssyncadd.s32 $0xFFFFF000  }
0x3d: {  	_ =	swait.ge [sflag:s30], $0x1000  }
0x3e: {  	[sflag:s30] =	ssyncset.done $0x0  }
0x3f: {  	[sflag:s30] =	ssyncadd.s32 $0xFFFFF000  }
0x40: {  	_ =	swait.ge [sflag:s30], $0x1000  }
0x41: {  	[sflag:s30] =	ssyncset.done $0x0  }
0x42: {  	[sflag:s30] =	ssyncadd.s32 $0xFFFFF000  }
0x43: {  	_ =	swait.ge [sflag:s30], $0x1000  }
0x44: {  	[sflag:s30] =	ssyncset.done $0x0  }
0x45: {  	[sflag:s30] =	ssyncadd.s32 $0xFFFFF000  }
0x46: {  	_ =	swait.ge [sflag:s30], $0x1000  }
0x47: {  	[sflag:s30] =	ssyncset.done $0x0  }
0x48: {  	[sflag:s30] =	ssyncadd.s32 $0xFFFFF000  }
0x49: {  	_ =	swait.ge [sflag:s30], $0x1000  }
0x4a: {  	[sflag:s30] =	ssyncset.done $0x0  }
0x4b: {  	[sflag:s30] =	ssyncadd.s32 $0xFFFFF000  }
0x4c: {  	[hbm4b:s6+s23] =	stream.strided.scatter [tilespmem:s19], [sflag:$0x2], $0x1000, s25, s23, $0x38;
	[tilespmem:$0x14410] =	vst v63  }
0x4d: {  	_ =	swait.ge [sflag:s17], $0x1000  }
0x4e: {  	[sflag:s17] =	ssyncset.done $0x0  }
0x4f: {  	[sflag:s17] =	ssyncadd.s32 $0xFFFFF000  }
0x50: {  	[hbm4b:s7+s23] =	stream.strided.scatter [tilespmem:s20], [sflag:$0x2], $0x1000, s25, s23, $0x38;
	[tilespmem:$0x14410] =	vst v63  }
0x51: {  	_ =	swait.ge [sflag:s17], $0x1000  }
0x52: {  	[sflag:s17] =	ssyncset.done $0x0  }
0x53: {  	[sflag:s17] =	ssyncadd.s32 $0xFFFFF000  }
0x54: {  	[hbm4b:s8+s23] =	stream.strided.scatter [tilespmem:s22], [sflag:$0x2], $0x1000, s25, s23, $0x38;
	[tilespmem:$0x14410] =	vst v63  }
0x55: {  	_ =	swait.ge [sflag:s17], $0x1000  }
0x56: {  	[sflag:s17] =	ssyncset.done $0x0  }
0x57: {  	[sflag:s17] =	ssyncadd.s32 $0xFFFFF000  }
0x58: {  	[hbm4b:s9+s23] =	stream.strided.scatter [tilespmem:s24], [sflag:$0x2], $0x1000, s25, s23, $0x38;
	[tilespmem:$0x14410] =	vst v63  }
0x59: {  	_ =	swait.ge [sflag:s17], $0x1000  }
0x5a: {  	[sflag:s17] =	ssyncset.done $0x0  }
0x5b: {  	[sflag:s17] =	ssyncadd.s32 $0xFFFFF000  }
0x5c: {  	[hbm4b:s10+s23] =	stream.strided.scatter [tilespmem:s26], [sflag:$0x2], $0x1000, s25, s23, $0x38;
	[tilespmem:$0x14410] =	vst v63  }
0x5d: {  	_ =	swait.ge [sflag:s17], $0x1000  }
0x5e: {  	[sflag:s17] =	ssyncset.done $0x0  }
0x5f: {  	[sflag:s17] =	ssyncadd.s32 $0xFFFFF000  }
0x60: {  	[hbm4b:s11+s23] =	stream.strided.scatter [tilespmem:s29], [sflag:$0x2], $0x1000, s25, s23, $0x38;
	[tilespmem:$0x14410] =	vst v63  }
0x61: {  	_ =	swait.ge [sflag:s17], $0x1000  }
0x62: {  	[sflag:s17] =	ssyncset.done $0x0  }
0x63: {  	[sflag:s17] =	ssyncadd.s32 $0xFFFFF000  }
0x64: {  	[hbm4b:s12+s23] =	stream.strided.scatter [tilespmem:s31], [sflag:$0x2], $0x1000, s25, s23, $0x38;
	[tilespmem:$0x14410] =	vst v63  }
0x65: {  	_ =	swait.ge [sflag:s17], $0x1000  }
0x66: {  	[sflag:s17] =	ssyncset.done $0x0  }
0x67: {  	[sflag:s17] =	ssyncadd.s32 $0xFFFFF000  }
0x68: {  	[hbm4b:s13+s23] =	stream.strided.scatter [tilespmem:s21], [sflag:$0x2], $0x1000, s25, s23, $0x38;
	[tilespmem:$0x14410] =	vst v63  }
0x69: {  	_ =	swait.ge [sflag:s17], $0x1000  }
0x6a: {  	[sflag:s17] =	ssyncset.done $0x0  }
0x6b: {  	v0 =	vimm.f32 $0.0e+00;
	[sflag:s17] =	ssyncadd.s32 $0xFFFFF000  }
0x6c: {  	s3 =	simm.s32 $0x0;
	[tilespmem:$0x10400] =	vst v0  }
0x6d: {  	s0 =	simm.s32 $0x80;
	v1 =	vld [tilespmem:s3+$0x8400]  }
.LBB2_2:
0x6e: {  	p1 =	sne.s32 s0, $0x3F80;
	v2 =	vld [tilespmem:s3+$0x400]  }
0x6f: {  	v3 =	vld [tilespmem:s3+$0x410]  }
0x70: {  	v4 =	vld [tilespmem:s3+$0x8410];
	_ =	sdelay $0x2  }
0x71: {  	v1 =	vsub.f32 v2, v1;
	_ =	sdelay $0x1  }
0x72: {  	v2 =	vsub.f32 v3, v4;
	v1 =	vmul.f32 v1, v1;
	_ =	sdelay $0x1  }
0x73: {  	v0 =	vadd.f32 v0, v1;
	v1 =	vmul.f32 v2, v2  }
.Ltmp0:
0x74: {  	(pc) =	sbr.rel @p1 .LBB2_2-.Ltmp0, $3  }
0x75: {  	v0 =	vadd.f32 v1, v0;
	_ =	sdelay $0x1  }
0x76: {  	s3 =	sshra.s32 s0, $0x2;
	[tilespmem:$0x10400] =	vst v0  }
0x77: {  	s0 =	sadd.s32 $0x80, s0;
	v1 =	vld [tilespmem:s3+$0x8400]  }
0x78: {  	v2 =	vld [tilespmem:s3+$0x400]  }
0x79: {  	v3 =	vld [tilespmem:s3+$0x410]  }
0x7a: {  	v4 =	vld [tilespmem:s3+$0x8410];
	_ =	sdelay $0x2  }
0x7b: {  	v1 =	vsub.f32 v2, v1;
	_ =	sdelay $0x1  }
0x7c: {  	v2 =	vsub.f32 v3, v4;
	v1 =	vmul.f32 v1, v1;
	_ =	sdelay $0x1  }
0x7d: {  	v0 =	vadd.f32 v0, v1;
	v1 =	vmul.f32 v2, v2;
	_ =	sdelay $0x1  }
0x7e: {  	v0 =	vadd.f32 v1, v0;
	_ =	sdelay $0x1  }
0x7f: {  	s3 =	simm.s32 $0x0;
	[tilespmem:$0x10400] =	vst v0  }
0x80: {  	s0 =	simm.s32 $0x80;
	v1 =	vld [tilespmem:s3+$0x9400]  }
.LBB2_4:
0x81: {  	p1 =	sne.s32 s0, $0x3F80;
	v2 =	vld [tilespmem:s3+$0x1400]  }
0x82: {  	v3 =	vld [tilespmem:s3+$0x1410]  }
0x83: {  	v4 =	vld [tilespmem:s3+$0x9410];
	_ =	sdelay $0x2  }
0x84: {  	v1 =	vsub.f32 v2, v1;
	_ =	sdelay $0x1  }
0x85: {  	v2 =	vsub.f32 v3, v4;
	v1 =	vmul.f32 v1, v1;
	_ =	sdelay $0x1  }
0x86: {  	v0 =	vadd.f32 v0, v1;
	v1 =	vmul.f32 v2, v2  }
.Ltmp1:
0x87: {  	(pc) =	sbr.rel @p1 .LBB2_4-.Ltmp1, $3  }
0x88: {  	v0 =	vadd.f32 v1, v0;
	_ =	sdelay $0x1  }
0x89: {  	s3 =	sshra.s32 s0, $0x2;
	[tilespmem:$0x10400] =	vst v0  }
0x8a: {  	s0 =	sadd.s32 $0x80, s0;
	v1 =	vld [tilespmem:s3+$0x9400]  }
0x8b: {  	v2 =	vld [tilespmem:s3+$0x1400]  }
0x8c: {  	v3 =	vld [tilespmem:s3+$0x1410]  }
0x8d: {  	v4 =	vld [tilespmem:s3+$0x9410];
	_ =	sdelay $0x2  }
0x8e: {  	v1 =	vsub.f32 v2, v1;
	_ =	sdelay $0x1  }
0x8f: {  	v2 =	vsub.f32 v3, v4;
	v1 =	vmul.f32 v1, v1;
	_ =	sdelay $0x1  }
0x90: {  	v0 =	vadd.f32 v0, v1;
	v1 =	vmul.f32 v2, v2;
	_ =	sdelay $0x1  }
0x91: {  	v0 =	vadd.f32 v1, v0;
	_ =	sdelay $0x1  }
0x92: {  	s3 =	simm.s32 $0x0;
	[tilespmem:$0x10400] =	vst v0  }
0x93: {  	s0 =	simm.s32 $0x80;
	v1 =	vld [tilespmem:s3+$0xA400]  }
.LBB2_6:
0x94: {  	p1 =	sne.s32 s0, $0x3F80;
	v2 =	vld [tilespmem:s3+$0x2400]  }
0x95: {  	v3 =	vld [tilespmem:s3+$0x2410]  }
0x96: {  	v4 =	vld [tilespmem:s3+$0xA410];
	_ =	sdelay $0x2  }
0x97: {  	v1 =	vsub.f32 v2, v1;
	_ =	sdelay $0x1  }
0x98: {  	v2 =	vsub.f32 v3, v4;
	v1 =	vmul.f32 v1, v1;
	_ =	sdelay $0x1  }
0x99: {  	v0 =	vadd.f32 v0, v1;
	v1 =	vmul.f32 v2, v2  }
.Ltmp2:
0x9a: {  	(pc) =	sbr.rel @p1 .LBB2_6-.Ltmp2, $3  }
0x9b: {  	v0 =	vadd.f32 v1, v0;
	_ =	sdelay $0x1  }
0x9c: {  	s3 =	sshra.s32 s0, $0x2;
	[tilespmem:$0x10400] =	vst v0  }
0x9d: {  	s0 =	sadd.s32 $0x80, s0;
	v1 =	vld [tilespmem:s3+$0xA400]  }
0x9e: {  	v2 =	vld [tilespmem:s3+$0x2400]  }
0x9f: {  	v3 =	vld [tilespmem:s3+$0x2410]  }
0xa0: {  	v4 =	vld [tilespmem:s3+$0xA410];
	_ =	sdelay $0x2  }
0xa1: {  	v1 =	vsub.f32 v2, v1;
	_ =	sdelay $0x1  }
0xa2: {  	v2 =	vsub.f32 v3, v4;
	v1 =	vmul.f32 v1, v1;
	_ =	sdelay $0x1  }
0xa3: {  	v0 =	vadd.f32 v0, v1;
	v1 =	vmul.f32 v2, v2;
	_ =	sdelay $0x1  }
0xa4: {  	v0 =	vadd.f32 v1, v0;
	_ =	sdelay $0x1  }
0xa5: {  	s3 =	simm.s32 $0x0;
	[tilespmem:$0x10400] =	vst v0  }
0xa6: {  	s0 =	simm.s32 $0x80;
	v1 =	vld [tilespmem:s3+$0xB400]  }
.LBB2_8:
0xa7: {  	p1 =	sne.s32 s0, $0x3F80;
	v2 =	vld [tilespmem:s3+$0x3400]  }
0xa8: {  	v3 =	vld [tilespmem:s3+$0x3410]  }
0xa9: {  	v4 =	vld [tilespmem:s3+$0xB410];
	_ =	sdelay $0x2  }
0xaa: {  	v1 =	vsub.f32 v2, v1;
	_ =	sdelay $0x1  }
0xab: {  	v2 =	vsub.f32 v3, v4;
	v1 =	vmul.f32 v1, v1;
	_ =	sdelay $0x1  }
0xac: {  	v0 =	vadd.f32 v0, v1;
	v1 =	vmul.f32 v2, v2  }
.Ltmp3:
0xad: {  	(pc) =	sbr.rel @p1 .LBB2_8-.Ltmp3, $3  }
0xae: {  	v0 =	vadd.f32 v1, v0;
	_ =	sdelay $0x1  }
0xaf: {  	s3 =	sshra.s32 s0, $0x2;
	[tilespmem:$0x10400] =	vst v0  }
0xb0: {  	s0 =	sadd.s32 $0x80, s0;
	v1 =	vld [tilespmem:s3+$0xB400]  }
0xb1: {  	v2 =	vld [tilespmem:s3+$0x3400]  }
0xb2: {  	v3 =	vld [tilespmem:s3+$0x3410]  }
0xb3: {  	v4 =	vld [tilespmem:s3+$0xB410];
	_ =	sdelay $0x2  }
0xb4: {  	v1 =	vsub.f32 v2, v1;
	_ =	sdelay $0x1  }
0xb5: {  	v2 =	vsub.f32 v3, v4;
	v1 =	vmul.f32 v1, v1;
	_ =	sdelay $0x1  }
0xb6: {  	v0 =	vadd.f32 v0, v1;
	v1 =	vmul.f32 v2, v2;
	_ =	sdelay $0x1  }
0xb7: {  	v0 =	vadd.f32 v1, v0;
	_ =	sdelay $0x1  }
0xb8: {  	s3 =	simm.s32 $0x0;
	[tilespmem:$0x10400] =	vst v0  }
0xb9: {  	s0 =	simm.s32 $0x80;
	v1 =	vld [tilespmem:s3+$0xC400]  }
.LBB2_10:
0xba: {  	p1 =	sne.s32 s0, $0x3F80;
	v2 =	vld [tilespmem:s3+$0x4400]  }
0xbb: {  	v3 =	vld [tilespmem:s3+$0x4410]  }
0xbc: {  	v4 =	vld [tilespmem:s3+$0xC410];
	_ =	sdelay $0x2  }
0xbd: {  	v1 =	vsub.f32 v2, v1;
	_ =	sdelay $0x1  }
0xbe: {  	v2 =	vsub.f32 v3, v4;
	v1 =	vmul.f32 v1, v1;
	_ =	sdelay $0x1  }
0xbf: {  	v0 =	vadd.f32 v0, v1;
	v1 =	vmul.f32 v2, v2  }
.Ltmp4:
0xc0: {  	(pc) =	sbr.rel @p1 .LBB2_10-.Ltmp4, $3  }
0xc1: {  	v0 =	vadd.f32 v1, v0;
	_ =	sdelay $0x1  }
0xc2: {  	s3 =	sshra.s32 s0, $0x2;
	[tilespmem:$0x10400] =	vst v0  }
0xc3: {  	s0 =	sadd.s32 $0x80, s0;
	v1 =	vld [tilespmem:s3+$0xC400]  }
0xc4: {  	v2 =	vld [tilespmem:s3+$0x4400]  }
0xc5: {  	v3 =	vld [tilespmem:s3+$0x4410]  }
0xc6: {  	v4 =	vld [tilespmem:s3+$0xC410];
	_ =	sdelay $0x2  }
0xc7: {  	v1 =	vsub.f32 v2, v1;
	_ =	sdelay $0x1  }
0xc8: {  	v2 =	vsub.f32 v3, v4;
	v1 =	vmul.f32 v1, v1;
	_ =	sdelay $0x1  }
0xc9: {  	v0 =	vadd.f32 v0, v1;
	v1 =	vmul.f32 v2, v2;
	_ =	sdelay $0x1  }
0xca: {  	v0 =	vadd.f32 v1, v0;
	_ =	sdelay $0x1  }
0xcb: {  	s3 =	simm.s32 $0x0;
	[tilespmem:$0x10400] =	vst v0  }
0xcc: {  	s0 =	simm.s32 $0x80;
	v1 =	vld [tilespmem:s3+$0xD400]  }
.LBB2_12:
0xcd: {  	p1 =	sne.s32 s0, $0x3F80;
	v2 =	vld [tilespmem:s3+$0x5400]  }
0xce: {  	v3 =	vld [tilespmem:s3+$0x5410]  }
0xcf: {  	v4 =	vld [tilespmem:s3+$0xD410];
	_ =	sdelay $0x2  }
0xd0: {  	v1 =	vsub.f32 v2, v1;
	_ =	sdelay $0x1  }
0xd1: {  	v2 =	vsub.f32 v3, v4;
	v1 =	vmul.f32 v1, v1;
	_ =	sdelay $0x1  }
0xd2: {  	v0 =	vadd.f32 v0, v1;
	v1 =	vmul.f32 v2, v2  }
.Ltmp5:
0xd3: {  	(pc) =	sbr.rel @p1 .LBB2_12-.Ltmp5, $3  }
0xd4: {  	v0 =	vadd.f32 v1, v0;
	_ =	sdelay $0x1  }
0xd5: {  	s3 =	sshra.s32 s0, $0x2;
	[tilespmem:$0x10400] =	vst v0  }
0xd6: {  	s0 =	sadd.s32 $0x80, s0;
	v1 =	vld [tilespmem:s3+$0xD400]  }
0xd7: {  	v2 =	vld [tilespmem:s3+$0x5400]  }
0xd8: {  	v3 =	vld [tilespmem:s3+$0x5410]  }
0xd9: {  	v4 =	vld [tilespmem:s3+$0xD410];
	_ =	sdelay $0x2  }
0xda: {  	v1 =	vsub.f32 v2, v1;
	_ =	sdelay $0x1  }
0xdb: {  	v2 =	vsub.f32 v3, v4;
	v1 =	vmul.f32 v1, v1;
	_ =	sdelay $0x1  }
0xdc: {  	v0 =	vadd.f32 v0, v1;
	v1 =	vmul.f32 v2, v2;
	_ =	sdelay $0x1  }
0xdd: {  	v0 =	vadd.f32 v1, v0;
	_ =	sdelay $0x1  }
0xde: {  	s3 =	simm.s32 $0x0;
	[tilespmem:$0x10400] =	vst v0  }
0xdf: {  	s0 =	simm.s32 $0x80;
	v1 =	vld [tilespmem:s3+$0xE400]  }
.LBB2_14:
0xe0: {  	p1 =	sne.s32 s0, $0x3F80;
	v2 =	vld [tilespmem:s3+$0x6400]  }
0xe1: {  	v3 =	vld [tilespmem:s3+$0x6410]  }
0xe2: {  	v4 =	vld [tilespmem:s3+$0xE410];
	_ =	sdelay $0x2  }
0xe3: {  	v1 =	vsub.f32 v2, v1;
	_ =	sdelay $0x1  }
0xe4: {  	v2 =	vsub.f32 v3, v4;
	v1 =	vmul.f32 v1, v1;
	_ =	sdelay $0x1  }
0xe5: {  	v0 =	vadd.f32 v0, v1;
	v1 =	vmul.f32 v2, v2  }
.Ltmp6:
0xe6: {  	(pc) =	sbr.rel @p1 .LBB2_14-.Ltmp6, $3  }
0xe7: {  	v0 =	vadd.f32 v1, v0;
	_ =	sdelay $0x1  }
0xe8: {  	s3 =	sshra.s32 s0, $0x2;
	[tilespmem:$0x10400] =	vst v0  }
0xe9: {  	s0 =	sadd.s32 $0x80, s0;
	v1 =	vld [tilespmem:s3+$0xE400]  }
0xea: {  	v2 =	vld [tilespmem:s3+$0x6400]  }
0xeb: {  	v3 =	vld [tilespmem:s3+$0x6410]  }
0xec: {  	v4 =	vld [tilespmem:s3+$0xE410];
	_ =	sdelay $0x2  }
0xed: {  	v1 =	vsub.f32 v2, v1;
	_ =	sdelay $0x1  }
0xee: {  	v2 =	vsub.f32 v3, v4;
	v1 =	vmul.f32 v1, v1;
	_ =	sdelay $0x1  }
0xef: {  	v0 =	vadd.f32 v0, v1;
	v1 =	vmul.f32 v2, v2;
	_ =	sdelay $0x1  }
0xf0: {  	v0 =	vadd.f32 v1, v0;
	_ =	sdelay $0x1  }
0xf1: {  	s3 =	simm.s32 $0x0;
	[tilespmem:$0x10400] =	vst v0  }
0xf2: {  	s0 =	simm.s32 $0x80;
	v1 =	vld [tilespmem:s3+$0xF400]  }
.LBB2_16:
0xf3: {  	p1 =	sne.s32 s0, $0x3F80;
	v2 =	vld [tilespmem:s3+$0x7400]  }
0xf4: {  	v3 =	vld [tilespmem:s3+$0x7410]  }
0xf5: {  	v4 =	vld [tilespmem:s3+$0xF410];
	_ =	sdelay $0x2  }
0xf6: {  	v1 =	vsub.f32 v2, v1;
	_ =	sdelay $0x1  }
0xf7: {  	v2 =	vsub.f32 v3, v4;
	v1 =	vmul.f32 v1, v1;
	_ =	sdelay $0x1  }
0xf8: {  	v0 =	vadd.f32 v0, v1;
	v1 =	vmul.f32 v2, v2  }
.Ltmp7:
0xf9: {  	(pc) =	sbr.rel @p1 .LBB2_16-.Ltmp7, $3  }
0xfa: {  	v0 =	vadd.f32 v1, v0;
	_ =	sdelay $0x1  }
0xfb: {  	s3 =	sshra.s32 s0, $0x2;
	[tilespmem:$0x10400] =	vst v0  }
0xfc: {  	s0 =	sadd.s32 $0x80, s0;
	v1 =	vld [tilespmem:s3+$0xF400]  }
0xfd: {  	v2 =	vld [tilespmem:s3+$0x7400]  }
0xfe: {  	v3 =	vld [tilespmem:s3+$0x7410]  }
0xff: {  	v4 =	vld [tilespmem:s3+$0xF410];
	_ =	sdelay $0x2  }
0x100: {  	v1 =	vsub.f32 v2, v1;
	_ =	sdelay $0x1  }
0x101: {  	v62 =	vsub.f32 v3, v4;
	v1 =	vmul.f32 v1, v1;
	_ =	sdelay $0x1  }
0x102: {  	v63 =	vmul.f32 v62, v62;
	v0 =	vadd.f32 v0, v1;
	_ =	sdelay $0x1  }
0x103: {  	s28 =	sadd.s32 $0x1, s28;
	v0 =	vadd.f32 v63, v0  }
0x104: {  	p1 =	sne.s32 s28, s15  }
.Ltmp8:
0x105: {  	s0 =	simm.s32 $0x10400;
	[tilespmem:$0x10400] =	vst v0;
	(pc) =	sbr.rel @p1 .LBB2_1-.Ltmp8, $4  }
0x106: {  	[hbm4b:s14+s2] =	stream.linear.scatter [tilespmem:s0], [sflag:$0x2], $0x10, $0x38;
	[tilespmem:$0x14410] =	vst v63  }
0x107: {  	_ =	swait.ge [sflag:s17], $0x10  }
0x108: {  	[sflag:s17] =	ssyncset.done $0x0  }
0x109: {  	[sflag:s17] =	ssyncadd.s32 $0xFFFFFFF0  }
0x10a: {  	_ =	sfence.sel $0x180000  }
0x10b: {  	[bflag:$0x0] =	sbarrier.arrive $0xFFFF  }
0x10c: {  	_ =	strace $0x90000047  }
0x10d: {  	[bflag:$0x2] =	sbarrier.arrive $0xFFFF  }
0x10e: {  	s0 =	rddreg [dreg:$0x3]  }
0x10f: {  	s0 =	sadd.s32 @!p0 $0x100000, s0  }
0x110: {  	[sflag:s0] =	ssyncadd.tile.s32 @!p0 $0x1;
	_ =	shalt  }
.Lfunc_end2:
_tile_overlayer_lowered:
.L_overlay_start_2:
0x111: {  	(tag) =	ssettag $0x2  }
0x112: {  	s0 =	rddreg [dreg:$0x0];
	s2 =	stileid.u32  }
0x113: {  	s1 =	rddreg [dreg:$0x1];
	p0 =	sne.s32 s2, $0x0  }
0x114: {  	s3 =	rddreg [dreg:$0x2];
	[bflag:$0x3] =	sbarrier.arrive $0xFFFF;
	s2 =	simm.s32 @!p0 $0x1C02  }
0x115: {  	[timem:s3], [sflag:s2] =	dma.local @!p0 [hbm:s0], s1  }
0x116: {  	s0 =	simm.s32 @!p0 $0x2  }
0x117: {  	_ =	swait.ge @!p0 [sflag:s0], s1  }
0x118: {  	s1 =	ssub.s32 @!p0 $0x0, s1;
	[sflag:s0] =	ssyncset.done @!p0 $0x0  }
0x119: {  	[sflag:s0] =	ssyncadd.s32 @!p0 s1  }
0x11a: {  	[bflag:$0x3] =	sbarrier.arrive $0xFFFF  }
0x11b: {  	_ =	shalt  }

</sc_bundles>
